<compile_context>
chip_gen: v7x
topology: tpu7x:2x2x1
jax: 0.10.2.dev20260603
libtpu: 0.0.44.dev20260713+nightly
codegen_flags: <defaults>
</compile_context>

<pallas_src>
import functools
import math

import jax
import jax.numpy as jnp
from jax import lax
from jax.experimental import pallas as pl
from jax.experimental.pallas import tpu as pltpu
from jax.experimental.pallas import tpu_sc as plsc

VOCAB = 100000
DIM = 64
BATCH = 16384
NUM_SAMPLED = 64

NC, NS = 2, 16
NW = NC * NS
BPW = BATCH // NW
CHUNK = 128
NCHUNK = BPW // CHUNK

_LOG_V1 = math.log(float(VOCAB) + 1.0)


VB = 8192
NVB = -(-VOCAB // VB)


def _prep_body(eT_ref, wT_ref, out_ref):
    out_ref[...] = jnp.concatenate([eT_ref[...].T, wT_ref[...].T], axis=1)


_prep = pl.pallas_call(
    _prep_body,
    grid=(NVB,),
    in_specs=[
        pl.BlockSpec((DIM, VB), lambda i: (0, i)),
        pl.BlockSpec((DIM, VB), lambda i: (0, i)),
    ],
    out_specs=pl.BlockSpec((VB, 128), lambda i: (i, 0)),
    out_shape=jax.ShapeDtypeStruct((VOCAB, 128), jnp.float32),
    compiler_params=pltpu.CompilerParams(vmem_limit_bytes=100 * 1024 * 1024),
)



def _sc_gather_body(inputs_h, labels_h, tab_h, ncb_h, sampled_h,
                    p_o, tb_o, s_o, sb_o,
                    idx_v, lidx_v, a_v, b_v, tb_v, sidx_v, s_v, sb_v,
                    sems, semt):
    wid = lax.axis_index("s") * NC + lax.axis_index("c")
    base = wid * BPW
    for j in range(NCHUNK):
        pltpu.sync_copy(inputs_h.at[pl.ds(base + j * CHUNK, CHUNK)], idx_v.at[j])
        pltpu.sync_copy(labels_h.at[pl.ds(base + j * CHUNK, CHUNK)], lidx_v.at[j])
    tb_handles = [
        pltpu.async_copy(ncb_h.at[lidx_v.at[j]],
                         tb_v.at[pl.ds(j * CHUNK, CHUNK)], semt)
        for j in range(NCHUNK)
    ]
    handles = [None] * NCHUNK

    def fire(j):
        s = j % 2
        handles[j] = (
            pltpu.async_copy(tab_h.at[idx_v.at[j]], a_v.at[s], sems.at[2 * s]),
            pltpu.async_copy(tab_h.at[lidx_v.at[j]], b_v.at[s], sems.at[2 * s + 1]),
        )

    def drain(j):
        ha, hb = handles[j]
        ha.wait()
        hb.wait()
        sl = pl.ds(base + j * CHUNK, CHUNK)
        s = j % 2
        pltpu.sync_copy(a_v.at[s, :, pl.ds(0, DIM)], p_o.at[sl, pl.ds(0, DIM)])
        pltpu.sync_copy(b_v.at[s, :, pl.ds(DIM, DIM)], p_o.at[sl, pl.ds(DIM, DIM)])

    fire(0)
    for j in range(1, NCHUNK):
        fire(j)
        drain(j - 1)
    drain(NCHUNK - 1)

    for h in tb_handles:
        h.wait()
    pltpu.sync_copy(tb_v, tb_o.at[pl.ds(base, BPW)])

    @pl.when(wid == 0)
    def _():
        pltpu.sync_copy(sampled_h, sidx_v)
        pltpu.async_copy(tab_h.at[sidx_v], s_v, semt).wait()
        pltpu.async_copy(ncb_h.at[sidx_v], sb_v, semt).wait()
        pltpu.sync_copy(s_v, s_o)
        pltpu.sync_copy(sb_v, sb_o)


@functools.cache
def _make_sc_gather():
    return functools.partial(
        pl.kernel,
        out_type=[
            jax.ShapeDtypeStruct((BATCH, 128), jnp.float32),
            jax.ShapeDtypeStruct((BATCH,), jnp.float32),
            jax.ShapeDtypeStruct((NUM_SAMPLED, 128), jnp.float32),
            jax.ShapeDtypeStruct((NUM_SAMPLED,), jnp.float32),
        ],
        mesh=plsc.VectorSubcoreMesh(core_axis_name="c", subcore_axis_name="s",
                                    num_cores=NC, num_subcores=NS),
        compiler_params=pltpu.CompilerParams(use_tc_tiling_on_sc=False),
        scratch_types=[
            pltpu.VMEM((NCHUNK, CHUNK), jnp.int32),
            pltpu.VMEM((NCHUNK, CHUNK), jnp.int32),
            pltpu.VMEM((2, CHUNK, 128), jnp.float32),
            pltpu.VMEM((2, CHUNK, 128), jnp.float32),
            pltpu.VMEM((BPW,), jnp.float32),
            pltpu.VMEM((NUM_SAMPLED,), jnp.int32),
            pltpu.VMEM((NUM_SAMPLED, 128), jnp.float32),
            pltpu.VMEM((NUM_SAMPLED,), jnp.float32),
            pltpu.SemaphoreType.DMA((4,)),
            pltpu.SemaphoreType.DMA,
        ],
    )(_sc_gather_body)


BLK = 4096
NBLK = BATCH // BLK


def _tc_loss_body(labels_ref, p_ref, tb_ref, s_ref, sbt_ref,
                  st_ref, out_ref):
    i = pl.program_id(0)
    emb = p_ref[:, pl.ds(0, DIM)]
    tw = p_ref[:, pl.ds(DIM, DIM)]
    tb = tb_ref[...]
    labf = labels_ref[...].astype(jnp.float32)

    true_q = (jnp.log(labf + 2.0) - jnp.log(labf + 1.0)) / _LOG_V1 * NUM_SAMPLED
    tdot = jnp.sum(emb * tw, axis=1, keepdims=True).T
    tl = tdot + tb - jnp.log(true_q)
    ce_true = jnp.maximum(tl, 0.0) - tl + jnp.log1p(jnp.exp(-jnp.abs(tl)))

    sf = st_ref[...].astype(jnp.float32)
    sq = (jnp.log(sf + 2.0) - jnp.log(sf + 1.0)) / _LOG_V1 * NUM_SAMPLED
    sw = s_ref[:, pl.ds(DIM, DIM)]
    slog = lax.dot_general(emb, sw, (((1,), (1,)), ((), ())),
                           preferred_element_type=jnp.float32)
    sl = slog + sbt_ref[...] - jnp.log(sq)
    ce_samp = jnp.maximum(sl, 0.0) + jnp.log1p(jnp.exp(-jnp.abs(sl)))

    part = jnp.broadcast_to(jnp.sum(ce_samp) + jnp.sum(ce_true), (1, 1))

    @pl.when(i == 0)
    def _():
        out_ref[...] = jnp.zeros((1, 1), jnp.float32)

    out_ref[...] += part

    @pl.when(i == NBLK - 1)
    def _():
        out_ref[...] = out_ref[...] * (1.0 / BATCH)


_tc_loss = pl.pallas_call(
    _tc_loss_body,
    grid=(NBLK,),
    in_specs=[
        pl.BlockSpec((1, BLK), lambda i: (0, i)),
        pl.BlockSpec((BLK, 128), lambda i: (i, 0)),
        pl.BlockSpec((1, BLK), lambda i: (0, i)),
        pl.BlockSpec((NUM_SAMPLED, 128), lambda i: (0, 0)),
        pl.BlockSpec((1, NUM_SAMPLED), lambda i: (0, 0)),
        pl.BlockSpec((1, NUM_SAMPLED), lambda i: (0, 0)),
    ],
    out_specs=pl.BlockSpec((1, 1), lambda i: (0, 0)),
    out_shape=jax.ShapeDtypeStruct((1, 1), jnp.float32),
)


def kernel(inputs, labels, embedding, nce_weights, nce_biases, sampled):
    labels_flat = labels.reshape(-1)
    tab = _prep(embedding.T, nce_weights.T)
    p, tb, s, sb = _make_sc_gather()(inputs, labels_flat, tab,
                                     nce_biases, sampled)
    out = _tc_loss(labels_flat.reshape(1, BATCH), p, tb.reshape(1, BATCH),
                   s, sb.reshape(1, NUM_SAMPLED), sampled.reshape(1, NUM_SAMPLED))
    return out[0, 0]

# --- scband reference (transcript-rebuilt; emitter-appended) ---
"""Pipeline reference for scband-word2-vec-19430432047129 (READ-ONLY COPY).

The authoritative reference and input builder live on the scoring server;
editing this copy changes nothing except your own understanding.
"""

import jax, jax.numpy as jnp
import numpy as np

VOCAB = 100000
DIM = 64
BATCH = 16384
NUM_SAMPLED = 64


def _log_uniform_sample(key, n, vocab):
    u = jax.random.uniform(key, (n,))
    k = jnp.floor(jnp.exp(u * jnp.log(float(vocab) + 1.0))) - 1.0
    return jnp.clip(k.astype(jnp.int32), 0, vocab - 1)


def _log_uniform_prob(ids, vocab):
    idsf = ids.astype(jnp.float32)
    return (jnp.log(idsf + 2.0) - jnp.log(idsf + 1.0)) / jnp.log(float(vocab) + 1.0)


def setup_inputs(seed: int = 0):
    key = jax.random.key(seed)
    k1, k2, k3, k4, k5 = jax.random.split(key, 5)
    inputs = jax.random.randint(k1, (BATCH,), 0, VOCAB, dtype=jnp.int32)
    labels = jax.random.randint(k2, (BATCH, 1), 0, VOCAB, dtype=jnp.int32)
    embedding = jax.random.normal(k3, (VOCAB, DIM), dtype=jnp.float32) * 0.05
    nce_weights = jax.random.truncated_normal(k4, -2.0, 2.0, (VOCAB, DIM), dtype=jnp.float32) * (1.0 / np.sqrt(DIM))
    nce_biases = jnp.zeros((VOCAB,), dtype=jnp.float32)
    sampled = _log_uniform_sample(k5, NUM_SAMPLED, VOCAB)
    return {"inputs": inputs, "labels": labels, "embedding": embedding,
            "nce_weights": nce_weights, "nce_biases": nce_biases, "sampled": sampled}


def _sigmoid_ce(logits, z):
    return jnp.maximum(logits, 0.0) - logits * z + jnp.log1p(jnp.exp(-jnp.abs(logits)))


def reference(inputs, labels, embedding, nce_weights, nce_biases, sampled):
    # embed = tf.keras.layers.Embedding lookup
    embed = jnp.take(embedding, inputs, axis=0)  # [B, D]
    labels_flat = labels.reshape(-1)
    # true logits: dot(embed, W[label]) + b[label]
    true_w = jnp.take(nce_weights, labels_flat, axis=0)  # [B, D]
    true_b = jnp.take(nce_biases, labels_flat, axis=0)   # [B]
    true_logits = jnp.sum(embed * true_w, axis=-1) + true_b
    # sampled (negative) logits: embed @ W[sampled].T + b[sampled]
    sampled_w = jnp.take(nce_weights, sampled, axis=0)    # [S, D]
    sampled_b = jnp.take(nce_biases, sampled, axis=0)     # [S]
    sampled_logits = embed @ sampled_w.T + sampled_b[None, :]
    # subtract log expected counts of the log-uniform candidate sampler
    true_q = _log_uniform_prob(labels_flat, VOCAB) * NUM_SAMPLED
    sampled_q = _log_uniform_prob(sampled, VOCAB) * NUM_SAMPLED
    true_logits = true_logits - jnp.log(true_q)
    sampled_logits = sampled_logits - jnp.log(sampled_q)[None, :]
    # NCE = sigmoid cross-entropy: true class label 1, sampled classes label 0
    per_example = _sigmoid_ce(true_logits, 1.0) + jnp.sum(_sigmoid_ce(sampled_logits, 0.0), axis=-1)
    return jnp.mean(per_example)

if __name__ == "__main__":
    import jax
    _d = setup_inputs()
    print(jax.jit(kernel)(*tuple(_d.values())))

</pallas_src>

<mosaic_0001>
#map = affine_map<(d0, d1) -> (0)>
#map1 = affine_map<(d0, d1) -> (0, 0)>
module attributes {stable_mosaic.version = 14 : i64} {
  func.func @_sc_gather_body(%arg0: i32, %arg1: i32, %arg2: memref<16384xi32, #tpu.memory_space<hbm>>, %arg3: memref<16384xi32, #tpu.memory_space<hbm>>, %arg4: memref<100000x128xf32, #tpu.memory_space<hbm>>, %arg5: memref<100000xf32, #tpu.memory_space<hbm>>, %arg6: memref<64xi32, #tpu.memory_space<hbm>>, %arg7: memref<16384x128xf32, #tpu.memory_space<hbm>>, %arg8: memref<16384xf32, #tpu.memory_space<hbm>>, %arg9: memref<64x128xf32, #tpu.memory_space<hbm>>, %arg10: memref<64xf32, #tpu.memory_space<hbm>>, %arg11: memref<4x128xi32, #tpu.memory_space<vmem>>, %arg12: memref<4x128xi32, #tpu.memory_space<vmem>>, %arg13: memref<2x128x128xf32, #tpu.memory_space<vmem>>, %arg14: memref<2x128x128xf32, #tpu.memory_space<vmem>>, %arg15: memref<512xf32, #tpu.memory_space<vmem>>, %arg16: memref<64xi32, #tpu.memory_space<vmem>>, %arg17: memref<64x128xf32, #tpu.memory_space<vmem>>, %arg18: memref<64xf32, #tpu.memory_space<vmem>>, %arg19: memref<4x!tpu.dma_semaphore, #tpu.memory_space<semaphore_mem>>, %arg20: memref<!tpu.dma_semaphore, #tpu.memory_space<semaphore_mem>>) attributes {dimension_semantics = [#tpu.dimension_semantics<core_parallel>, #tpu.dimension_semantics<subcore_parallel>], iteration_bounds = array<i64: 2, 16>, scalar_prefetch = 0 : i64, scratch_operands = 10 : i64, tpu.core_type = #tpu.core_type<sc_vector_subcore>, window_params = [{transform_indices = #map}, {transform_indices = #map}, {transform_indices = #map1}, {transform_indices = #map}, {transform_indices = #map}, {transform_indices = #map1}, {transform_indices = #map}, {transform_indices = #map1}, {transform_indices = #map}]} {
    %mul3A = arith.constant 2 : i32
    %mul3A_0 = arith.muli %arg1, %mul3A : i32
    %add3A = arith.addi %mul3A_0, %arg0 : i32
    %mul3A_1 = arith.constant 512 : i32
    %mul3A_2 = arith.muli %add3A, %mul3A_1 : i32
    %add3A_3 = arith.constant 0 : i32
    %add3A_4 = arith.addi %mul3A_2, %add3A_3 : i32
    %run_scoped3A = arith.constant 0 : i32
    "tpu.region"() ({
      %run_scoped3A_346 = tpu.sem_alloc : memref<!tpu.dma_semaphore, #tpu.memory_space<semaphore_mem>>
      %dma_start3A_347 = arith.constant 0 : i32
      %dma_start3A_348 = tpu.memref_slice %arg11[%run_scoped3A, %dma_start3A_347] : memref<4x128xi32, #tpu.memory_space<vmem>> -> memref<1x128xi32, #tpu.memory_space<vmem>>
      %dma_start3A_349 = tpu.memref_squeeze %dma_start3A_348 : memref<1x128xi32, #tpu.memory_space<vmem>> -> memref<128xi32, #tpu.memory_space<vmem>>
      %dma_start3A_350 = tpu.memref_slice %arg2[%add3A_4] : memref<16384xi32, #tpu.memory_space<hbm>> -> memref<128xi32, #tpu.memory_space<hbm>>
      %dma_start3A_351 = arith.constant 0 : i32
      %dma_start3A_352 = tpu.memref_slice %arg11[%run_scoped3A, %dma_start3A_351] : memref<4x128xi32, #tpu.memory_space<vmem>> -> memref<1x128xi32, #tpu.memory_space<vmem>>
      %dma_start3A_353 = tpu.memref_squeeze %dma_start3A_352 : memref<1x128xi32, #tpu.memory_space<vmem>> -> memref<128xi32, #tpu.memory_space<vmem>>
      %dma_start3A_354 = tpu.memref_slice %arg2[%add3A_4] : memref<16384xi32, #tpu.memory_space<hbm>> -> memref<128xi32, #tpu.memory_space<hbm>>
      tpu.enqueue_dma source(%dma_start3A_354 : memref<128xi32, #tpu.memory_space<hbm>>) target(%dma_start3A_353 : memref<128xi32, #tpu.memory_space<vmem>>) target_semaphore(%run_scoped3A_346 : memref<!tpu.dma_semaphore, #tpu.memory_space<semaphore_mem>>)
      %dma_wait3A_355 = arith.constant 0 : i32
      %dma_wait3A_356 = tpu.memref_slice %arg11[%run_scoped3A, %dma_wait3A_355] : memref<4x128xi32, #tpu.memory_space<vmem>> -> memref<1x128xi32, #tpu.memory_space<vmem>>
      %dma_wait3A_357 = tpu.memref_squeeze %dma_wait3A_356 : memref<1x128xi32, #tpu.memory_space<vmem>> -> memref<128xi32, #tpu.memory_space<vmem>>
      %dma_wait3A_358 = tpu.memref_slice %arg2[%add3A_4] : memref<16384xi32, #tpu.memory_space<hbm>> -> memref<128xi32, #tpu.memory_space<hbm>>
      %dma_wait3A_359 = arith.constant 0 : i32
      %dma_wait3A_360 = tpu.memref_slice %arg11[%run_scoped3A, %dma_wait3A_359] : memref<4x128xi32, #tpu.memory_space<vmem>> -> memref<1x128xi32, #tpu.memory_space<vmem>>
      %dma_wait3A_361 = tpu.memref_squeeze %dma_wait3A_360 : memref<1x128xi32, #tpu.memory_space<vmem>> -> memref<128xi32, #tpu.memory_space<vmem>>
      %dma_wait3A_362 = tpu.memref_slice %arg2[%add3A_4] : memref<16384xi32, #tpu.memory_space<hbm>> -> memref<128xi32, #tpu.memory_space<hbm>>
      tpu.wait_dma2 semaphore(%run_scoped3A_346 : memref<!tpu.dma_semaphore, #tpu.memory_space<semaphore_mem>>) src(%dma_wait3A_362 : memref<128xi32, #tpu.memory_space<hbm>>) dst(%dma_wait3A_361 : memref<128xi32, #tpu.memory_space<vmem>>)
      tpu.yield
    }) : () -> ()
    %add3A_5 = arith.constant 0 : i32
    %add3A_6 = arith.addi %mul3A_2, %add3A_5 : i32
    %run_scoped3A_7 = arith.constant 0 : i32
    "tpu.region"() ({
      %run_scoped3A_346 = tpu.sem_alloc : memref<!tpu.dma_semaphore, #tpu.memory_space<semaphore_mem>>
      %dma_start3A_347 = arith.constant 0 : i32
      %dma_start3A_348 = tpu.memref_slice %arg12[%run_scoped3A_7, %dma_start3A_347] : memref<4x128xi32, #tpu.memory_space<vmem>> -> memref<1x128xi32, #tpu.memory_space<vmem>>
      %dma_start3A_349 = tpu.memref_squeeze %dma_start3A_348 : memref<1x128xi32, #tpu.memory_space<vmem>> -> memref<128xi32, #tpu.memory_space<vmem>>
      %dma_start3A_350 = tpu.memref_slice %arg3[%add3A_6] : memref<16384xi32, #tpu.memory_space<hbm>> -> memref<128xi32, #tpu.memory_space<hbm>>
      %dma_start3A_351 = arith.constant 0 : i32
      %dma_start3A_352 = tpu.memref_slice %arg12[%run_scoped3A_7, %dma_start3A_351] : memref<4x128xi32, #tpu.memory_space<vmem>> -> memref<1x128xi32, #tpu.memory_space<vmem>>
      %dma_start3A_353 = tpu.memref_squeeze %dma_start3A_352 : memref<1x128xi32, #tpu.memory_space<vmem>> -> memref<128xi32, #tpu.memory_space<vmem>>
      %dma_start3A_354 = tpu.memref_slice %arg3[%add3A_6] : memref<16384xi32, #tpu.memory_space<hbm>> -> memref<128xi32, #tpu.memory_space<hbm>>
      tpu.enqueue_dma source(%dma_start3A_354 : memref<128xi32, #tpu.memory_space<hbm>>) target(%dma_start3A_353 : memref<128xi32, #tpu.memory_space<vmem>>) target_semaphore(%run_scoped3A_346 : memref<!tpu.dma_semaphore, #tpu.memory_space<semaphore_mem>>)
      %dma_wait3A_355 = arith.constant 0 : i32
      %dma_wait3A_356 = tpu.memref_slice %arg12[%run_scoped3A_7, %dma_wait3A_355] : memref<4x128xi32, #tpu.memory_space<vmem>> -> memref<1x128xi32, #tpu.memory_space<vmem>>
      %dma_wait3A_357 = tpu.memref_squeeze %dma_wait3A_356 : memref<1x128xi32, #tpu.memory_space<vmem>> -> memref<128xi32, #tpu.memory_space<vmem>>
      %dma_wait3A_358 = tpu.memref_slice %arg3[%add3A_6] : memref<16384xi32, #tpu.memory_space<hbm>> -> memref<128xi32, #tpu.memory_space<hbm>>
      %dma_wait3A_359 = arith.constant 0 : i32
      %dma_wait3A_360 = tpu.memref_slice %arg12[%run_scoped3A_7, %dma_wait3A_359] : memref<4x128xi32, #tpu.memory_space<vmem>> -> memref<1x128xi32, #tpu.memory_space<vmem>>
      %dma_wait3A_361 = tpu.memref_squeeze %dma_wait3A_360 : memref<1x128xi32, #tpu.memory_space<vmem>> -> memref<128xi32, #tpu.memory_space<vmem>>
      %dma_wait3A_362 = tpu.memref_slice %arg3[%add3A_6] : memref<16384xi32, #tpu.memory_space<hbm>> -> memref<128xi32, #tpu.memory_space<hbm>>
      tpu.wait_dma2 semaphore(%run_scoped3A_346 : memref<!tpu.dma_semaphore, #tpu.memory_space<semaphore_mem>>) src(%dma_wait3A_362 : memref<128xi32, #tpu.memory_space<hbm>>) dst(%dma_wait3A_361 : memref<128xi32, #tpu.memory_space<vmem>>)
      tpu.yield
    }) : () -> ()
    %add3A_8 = arith.constant 128 : i32
    %add3A_9 = arith.addi %mul3A_2, %add3A_8 : i32
    %run_scoped3A_10 = arith.constant 1 : i32
    "tpu.region"() ({
      %run_scoped3A_346 = tpu.sem_alloc : memref<!tpu.dma_semaphore, #tpu.memory_space<semaphore_mem>>
      %dma_start3A_347 = arith.constant 0 : i32
      %dma_start3A_348 = tpu.memref_slice %arg11[%run_scoped3A_10, %dma_start3A_347] : memref<4x128xi32, #tpu.memory_space<vmem>> -> memref<1x128xi32, #tpu.memory_space<vmem>>
      %dma_start3A_349 = tpu.memref_squeeze %dma_start3A_348 : memref<1x128xi32, #tpu.memory_space<vmem>> -> memref<128xi32, #tpu.memory_space<vmem>>
      %dma_start3A_350 = tpu.memref_slice %arg2[%add3A_9] : memref<16384xi32, #tpu.memory_space<hbm>> -> memref<128xi32, #tpu.memory_space<hbm>>
      %dma_start3A_351 = arith.constant 0 : i32
      %dma_start3A_352 = tpu.memref_slice %arg11[%run_scoped3A_10, %dma_start3A_351] : memref<4x128xi32, #tpu.memory_space<vmem>> -> memref<1x128xi32, #tpu.memory_space<vmem>>
      %dma_start3A_353 = tpu.memref_squeeze %dma_start3A_352 : memref<1x128xi32, #tpu.memory_space<vmem>> -> memref<128xi32, #tpu.memory_space<vmem>>
      %dma_start3A_354 = tpu.memref_slice %arg2[%add3A_9] : memref<16384xi32, #tpu.memory_space<hbm>> -> memref<128xi32, #tpu.memory_space<hbm>>
      tpu.enqueue_dma source(%dma_start3A_354 : memref<128xi32, #tpu.memory_space<hbm>>) target(%dma_start3A_353 : memref<128xi32, #tpu.memory_space<vmem>>) target_semaphore(%run_scoped3A_346 : memref<!tpu.dma_semaphore, #tpu.memory_space<semaphore_mem>>)
      %dma_wait3A_355 = arith.constant 0 : i32
      %dma_wait3A_356 = tpu.memref_slice %arg11[%run_scoped3A_10, %dma_wait3A_355] : memref<4x128xi32, #tpu.memory_space<vmem>> -> memref<1x128xi32, #tpu.memory_space<vmem>>
      %dma_wait3A_357 = tpu.memref_squeeze %dma_wait3A_356 : memref<1x128xi32, #tpu.memory_space<vmem>> -> memref<128xi32, #tpu.memory_space<vmem>>
      %dma_wait3A_358 = tpu.memref_slice %arg2[%add3A_9] : memref<16384xi32, #tpu.memory_space<hbm>> -> memref<128xi32, #tpu.memory_space<hbm>>
      %dma_wait3A_359 = arith.constant 0 : i32
      %dma_wait3A_360 = tpu.memref_slice %arg11[%run_scoped3A_10, %dma_wait3A_359] : memref<4x128xi32, #tpu.memory_space<vmem>> -> memref<1x128xi32, #tpu.memory_space<vmem>>
      %dma_wait3A_361 = tpu.memref_squeeze %dma_wait3A_360 : memref<1x128xi32, #tpu.memory_space<vmem>> -> memref<128xi32, #tpu.memory_space<vmem>>
      %dma_wait3A_362 = tpu.memref_slice %arg2[%add3A_9] : memref<16384xi32, #tpu.memory_space<hbm>> -> memref<128xi32, #tpu.memory_space<hbm>>
      tpu.wait_dma2 semaphore(%run_scoped3A_346 : memref<!tpu.dma_semaphore, #tpu.memory_space<semaphore_mem>>) src(%dma_wait3A_362 : memref<128xi32, #tpu.memory_space<hbm>>) dst(%dma_wait3A_361 : memref<128xi32, #tpu.memory_space<vmem>>)
      tpu.yield
    }) : () -> ()
    %add3A_11 = arith.constant 128 : i32
    %add3A_12 = arith.addi %mul3A_2, %add3A_11 : i32
    %run_scoped3A_13 = arith.constant 1 : i32
    "tpu.region"() ({
      %run_scoped3A_346 = tpu.sem_alloc : memref<!tpu.dma_semaphore, #tpu.memory_space<semaphore_mem>>
      %dma_start3A_347 = arith.constant 0 : i32
      %dma_start3A_348 = tpu.memref_slice %arg12[%run_scoped3A_13, %dma_start3A_347] : memref<4x128xi32, #tpu.memory_space<vmem>> -> memref<1x128xi32, #tpu.memory_space<vmem>>
      %dma_start3A_349 = tpu.memref_squeeze %dma_start3A_348 : memref<1x128xi32, #tpu.memory_space<vmem>> -> memref<128xi32, #tpu.memory_space<vmem>>
      %dma_start3A_350 = tpu.memref_slice %arg3[%add3A_12] : memref<16384xi32, #tpu.memory_space<hbm>> -> memref<128xi32, #tpu.memory_space<hbm>>
      %dma_start3A_351 = arith.constant 0 : i32
      %dma_start3A_352 = tpu.memref_slice %arg12[%run_scoped3A_13, %dma_start3A_351] : memref<4x128xi32, #tpu.memory_space<vmem>> -> memref<1x128xi32, #tpu.memory_space<vmem>>
      %dma_start3A_353 = tpu.memref_squeeze %dma_start3A_352 : memref<1x128xi32, #tpu.memory_space<vmem>> -> memref<128xi32, #tpu.memory_space<vmem>>
      %dma_start3A_354 = tpu.memref_slice %arg3[%add3A_12] : memref<16384xi32, #tpu.memory_space<hbm>> -> memref<128xi32, #tpu.memory_space<hbm>>
      tpu.enqueue_dma source(%dma_start3A_354 : memref<128xi32, #tpu.memory_space<hbm>>) target(%dma_start3A_353 : memref<128xi32, #tpu.memory_space<vmem>>) target_semaphore(%run_scoped3A_346 : memref<!tpu.dma_semaphore, #tpu.memory_space<semaphore_mem>>)
      %dma_wait3A_355 = arith.constant 0 : i32
      %dma_wait3A_356 = tpu.memref_slice %arg12[%run_scoped3A_13, %dma_wait3A_355] : memref<4x128xi32, #tpu.memory_space<vmem>> -> memref<1x128xi32, #tpu.memory_space<vmem>>
      %dma_wait3A_357 = tpu.memref_squeeze %dma_wait3A_356 : memref<1x128xi32, #tpu.memory_space<vmem>> -> memref<128xi32, #tpu.memory_space<vmem>>
      %dma_wait3A_358 = tpu.memref_slice %arg3[%add3A_12] : memref<16384xi32, #tpu.memory_space<hbm>> -> memref<128xi32, #tpu.memory_space<hbm>>
      %dma_wait3A_359 = arith.constant 0 : i32
      %dma_wait3A_360 = tpu.memref_slice %arg12[%run_scoped3A_13, %dma_wait3A_359] : memref<4x128xi32, #tpu.memory_space<vmem>> -> memref<1x128xi32, #tpu.memory_space<vmem>>
      %dma_wait3A_361 = tpu.memref_squeeze %dma_wait3A_360 : memref<1x128xi32, #tpu.memory_space<vmem>> -> memref<128xi32, #tpu.memory_space<vmem>>
      %dma_wait3A_362 = tpu.memref_slice %arg3[%add3A_12] : memref<16384xi32, #tpu.memory_space<hbm>> -> memref<128xi32, #tpu.memory_space<hbm>>
      tpu.wait_dma2 semaphore(%run_scoped3A_346 : memref<!tpu.dma_semaphore, #tpu.memory_space<semaphore_mem>>) src(%dma_wait3A_362 : memref<128xi32, #tpu.memory_space<hbm>>) dst(%dma_wait3A_361 : memref<128xi32, #tpu.memory_space<vmem>>)
      tpu.yield
    }) : () -> ()
    %add3A_14 = arith.constant 256 : i32
    %add3A_15 = arith.addi %mul3A_2, %add3A_14 : i32
    %run_scoped3A_16 = arith.constant 2 : i32
    "tpu.region"() ({
      %run_scoped3A_346 = tpu.sem_alloc : memref<!tpu.dma_semaphore, #tpu.memory_space<semaphore_mem>>
      %dma_start3A_347 = arith.constant 0 : i32
      %dma_start3A_348 = tpu.memref_slice %arg11[%run_scoped3A_16, %dma_start3A_347] : memref<4x128xi32, #tpu.memory_space<vmem>> -> memref<1x128xi32, #tpu.memory_space<vmem>>
      %dma_start3A_349 = tpu.memref_squeeze %dma_start3A_348 : memref<1x128xi32, #tpu.memory_space<vmem>> -> memref<128xi32, #tpu.memory_space<vmem>>
      %dma_start3A_350 = tpu.memref_slice %arg2[%add3A_15] : memref<16384xi32, #tpu.memory_space<hbm>> -> memref<128xi32, #tpu.memory_space<hbm>>
      %dma_start3A_351 = arith.constant 0 : i32
      %dma_start3A_352 = tpu.memref_slice %arg11[%run_scoped3A_16, %dma_start3A_351] : memref<4x128xi32, #tpu.memory_space<vmem>> -> memref<1x128xi32, #tpu.memory_space<vmem>>
      %dma_start3A_353 = tpu.memref_squeeze %dma_start3A_352 : memref<1x128xi32, #tpu.memory_space<vmem>> -> memref<128xi32, #tpu.memory_space<vmem>>
      %dma_start3A_354 = tpu.memref_slice %arg2[%add3A_15] : memref<16384xi32, #tpu.memory_space<hbm>> -> memref<128xi32, #tpu.memory_space<hbm>>
      tpu.enqueue_dma source(%dma_start3A_354 : memref<128xi32, #tpu.memory_space<hbm>>) target(%dma_start3A_353 : memref<128xi32, #tpu.memory_space<vmem>>) target_semaphore(%run_scoped3A_346 : memref<!tpu.dma_semaphore, #tpu.memory_space<semaphore_mem>>)
      %dma_wait3A_355 = arith.constant 0 : i32
      %dma_wait3A_356 = tpu.memref_slice %arg11[%run_scoped3A_16, %dma_wait3A_355] : memref<4x128xi32, #tpu.memory_space<vmem>> -> memref<1x128xi32, #tpu.memory_space<vmem>>
      %dma_wait3A_357 = tpu.memref_squeeze %dma_wait3A_356 : memref<1x128xi32, #tpu.memory_space<vmem>> -> memref<128xi32, #tpu.memory_space<vmem>>
      %dma_wait3A_358 = tpu.memref_slice %arg2[%add3A_15] : memref<16384xi32, #tpu.memory_space<hbm>> -> memref<128xi32, #tpu.memory_space<hbm>>
      %dma_wait3A_359 = arith.constant 0 : i32
      %dma_wait3A_360 = tpu.memref_slice %arg11[%run_scoped3A_16, %dma_wait3A_359] : memref<4x128xi32, #tpu.memory_space<vmem>> -> memref<1x128xi32, #tpu.memory_space<vmem>>
      %dma_wait3A_361 = tpu.memref_squeeze %dma_wait3A_360 : memref<1x128xi32, #tpu.memory_space<vmem>> -> memref<128xi32, #tpu.memory_space<vmem>>
      %dma_wait3A_362 = tpu.memref_slice %arg2[%add3A_15] : memref<16384xi32, #tpu.memory_space<hbm>> -> memref<128xi32, #tpu.memory_space<hbm>>
      tpu.wait_dma2 semaphore(%run_scoped3A_346 : memref<!tpu.dma_semaphore, #tpu.memory_space<semaphore_mem>>) src(%dma_wait3A_362 : memref<128xi32, #tpu.memory_space<hbm>>) dst(%dma_wait3A_361 : memref<128xi32, #tpu.memory_space<vmem>>)
      tpu.yield
    }) : () -> ()
    %add3A_17 = arith.constant 256 : i32
    %add3A_18 = arith.addi %mul3A_2, %add3A_17 : i32
    %run_scoped3A_19 = arith.constant 2 : i32
    "tpu.region"() ({
      %run_scoped3A_346 = tpu.sem_alloc : memref<!tpu.dma_semaphore, #tpu.memory_space<semaphore_mem>>
      %dma_start3A_347 = arith.constant 0 : i32
      %dma_start3A_348 = tpu.memref_slice %arg12[%run_scoped3A_19, %dma_start3A_347] : memref<4x128xi32, #tpu.memory_space<vmem>> -> memref<1x128xi32, #tpu.memory_space<vmem>>
      %dma_start3A_349 = tpu.memref_squeeze %dma_start3A_348 : memref<1x128xi32, #tpu.memory_space<vmem>> -> memref<128xi32, #tpu.memory_space<vmem>>
      %dma_start3A_350 = tpu.memref_slice %arg3[%add3A_18] : memref<16384xi32, #tpu.memory_space<hbm>> -> memref<128xi32, #tpu.memory_space<hbm>>
      %dma_start3A_351 = arith.constant 0 : i32
      %dma_start3A_352 = tpu.memref_slice %arg12[%run_scoped3A_19, %dma_start3A_351] : memref<4x128xi32, #tpu.memory_space<vmem>> -> memref<1x128xi32, #tpu.memory_space<vmem>>
      %dma_start3A_353 = tpu.memref_squeeze %dma_start3A_352 : memref<1x128xi32, #tpu.memory_space<vmem>> -> memref<128xi32, #tpu.memory_space<vmem>>
      %dma_start3A_354 = tpu.memref_slice %arg3[%add3A_18] : memref<16384xi32, #tpu.memory_space<hbm>> -> memref<128xi32, #tpu.memory_space<hbm>>
      tpu.enqueue_dma source(%dma_start3A_354 : memref<128xi32, #tpu.memory_space<hbm>>) target(%dma_start3A_353 : memref<128xi32, #tpu.memory_space<vmem>>) target_semaphore(%run_scoped3A_346 : memref<!tpu.dma_semaphore, #tpu.memory_space<semaphore_mem>>)
      %dma_wait3A_355 = arith.constant 0 : i32
      %dma_wait3A_356 = tpu.memref_slice %arg12[%run_scoped3A_19, %dma_wait3A_355] : memref<4x128xi32, #tpu.memory_space<vmem>> -> memref<1x128xi32, #tpu.memory_space<vmem>>
      %dma_wait3A_357 = tpu.memref_squeeze %dma_wait3A_356 : memref<1x128xi32, #tpu.memory_space<vmem>> -> memref<128xi32, #tpu.memory_space<vmem>>
      %dma_wait3A_358 = tpu.memref_slice %arg3[%add3A_18] : memref<16384xi32, #tpu.memory_space<hbm>> -> memref<128xi32, #tpu.memory_space<hbm>>
      %dma_wait3A_359 = arith.constant 0 : i32
      %dma_wait3A_360 = tpu.memref_slice %arg12[%run_scoped3A_19, %dma_wait3A_359] : memref<4x128xi32, #tpu.memory_space<vmem>> -> memref<1x128xi32, #tpu.memory_space<vmem>>
      %dma_wait3A_361 = tpu.memref_squeeze %dma_wait3A_360 : memref<1x128xi32, #tpu.memory_space<vmem>> -> memref<128xi32, #tpu.memory_space<vmem>>
      %dma_wait3A_362 = tpu.memref_slice %arg3[%add3A_18] : memref<16384xi32, #tpu.memory_space<hbm>> -> memref<128xi32, #tpu.memory_space<hbm>>
      tpu.wait_dma2 semaphore(%run_scoped3A_346 : memref<!tpu.dma_semaphore, #tpu.memory_space<semaphore_mem>>) src(%dma_wait3A_362 : memref<128xi32, #tpu.memory_space<hbm>>) dst(%dma_wait3A_361 : memref<128xi32, #tpu.memory_space<vmem>>)
      tpu.yield
    }) : () -> ()
    %add3A_20 = arith.constant 384 : i32
    %add3A_21 = arith.addi %mul3A_2, %add3A_20 : i32
    %run_scoped3A_22 = arith.constant 3 : i32
    "tpu.region"() ({
      %run_scoped3A_346 = tpu.sem_alloc : memref<!tpu.dma_semaphore, #tpu.memory_space<semaphore_mem>>
      %dma_start3A_347 = arith.constant 0 : i32
      %dma_start3A_348 = tpu.memref_slice %arg11[%run_scoped3A_22, %dma_start3A_347] : memref<4x128xi32, #tpu.memory_space<vmem>> -> memref<1x128xi32, #tpu.memory_space<vmem>>
      %dma_start3A_349 = tpu.memref_squeeze %dma_start3A_348 : memref<1x128xi32, #tpu.memory_space<vmem>> -> memref<128xi32, #tpu.memory_space<vmem>>
      %dma_start3A_350 = tpu.memref_slice %arg2[%add3A_21] : memref<16384xi32, #tpu.memory_space<hbm>> -> memref<128xi32, #tpu.memory_space<hbm>>
      %dma_start3A_351 = arith.constant 0 : i32
      %dma_start3A_352 = tpu.memref_slice %arg11[%run_scoped3A_22, %dma_start3A_351] : memref<4x128xi32, #tpu.memory_space<vmem>> -> memref<1x128xi32, #tpu.memory_space<vmem>>
      %dma_start3A_353 = tpu.memref_squeeze %dma_start3A_352 : memref<1x128xi32, #tpu.memory_space<vmem>> -> memref<128xi32, #tpu.memory_space<vmem>>
      %dma_start3A_354 = tpu.memref_slice %arg2[%add3A_21] : memref<16384xi32, #tpu.memory_space<hbm>> -> memref<128xi32, #tpu.memory_space<hbm>>
      tpu.enqueue_dma source(%dma_start3A_354 : memref<128xi32, #tpu.memory_space<hbm>>) target(%dma_start3A_353 : memref<128xi32, #tpu.memory_space<vmem>>) target_semaphore(%run_scoped3A_346 : memref<!tpu.dma_semaphore, #tpu.memory_space<semaphore_mem>>)
      %dma_wait3A_355 = arith.constant 0 : i32
      %dma_wait3A_356 = tpu.memref_slice %arg11[%run_scoped3A_22, %dma_wait3A_355] : memref<4x128xi32, #tpu.memory_space<vmem>> -> memref<1x128xi32, #tpu.memory_space<vmem>>
      %dma_wait3A_357 = tpu.memref_squeeze %dma_wait3A_356 : memref<1x128xi32, #tpu.memory_space<vmem>> -> memref<128xi32, #tpu.memory_space<vmem>>
      %dma_wait3A_358 = tpu.memref_slice %arg2[%add3A_21] : memref<16384xi32, #tpu.memory_space<hbm>> -> memref<128xi32, #tpu.memory_space<hbm>>
      %dma_wait3A_359 = arith.constant 0 : i32
      %dma_wait3A_360 = tpu.memref_slice %arg11[%run_scoped3A_22, %dma_wait3A_359] : memref<4x128xi32, #tpu.memory_space<vmem>> -> memref<1x128xi32, #tpu.memory_space<vmem>>
      %dma_wait3A_361 = tpu.memref_squeeze %dma_wait3A_360 : memref<1x128xi32, #tpu.memory_space<vmem>> -> memref<128xi32, #tpu.memory_space<vmem>>
      %dma_wait3A_362 = tpu.memref_slice %arg2[%add3A_21] : memref<16384xi32, #tpu.memory_space<hbm>> -> memref<128xi32, #tpu.memory_space<hbm>>
      tpu.wait_dma2 semaphore(%run_scoped3A_346 : memref<!tpu.dma_semaphore, #tpu.memory_space<semaphore_mem>>) src(%dma_wait3A_362 : memref<128xi32, #tpu.memory_space<hbm>>) dst(%dma_wait3A_361 : memref<128xi32, #tpu.memory_space<vmem>>)
      tpu.yield
    }) : () -> ()
    %add3A_23 = arith.constant 384 : i32
    %add3A_24 = arith.addi %mul3A_2, %add3A_23 : i32
    %run_scoped3A_25 = arith.constant 3 : i32
    "tpu.region"() ({
      %run_scoped3A_346 = tpu.sem_alloc : memref<!tpu.dma_semaphore, #tpu.memory_space<semaphore_mem>>
      %dma_start3A_347 = arith.constant 0 : i32
      %dma_start3A_348 = tpu.memref_slice %arg12[%run_scoped3A_25, %dma_start3A_347] : memref<4x128xi32, #tpu.memory_space<vmem>> -> memref<1x128xi32, #tpu.memory_space<vmem>>
      %dma_start3A_349 = tpu.memref_squeeze %dma_start3A_348 : memref<1x128xi32, #tpu.memory_space<vmem>> -> memref<128xi32, #tpu.memory_space<vmem>>
      %dma_start3A_350 = tpu.memref_slice %arg3[%add3A_24] : memref<16384xi32, #tpu.memory_space<hbm>> -> memref<128xi32, #tpu.memory_space<hbm>>
      %dma_start3A_351 = arith.constant 0 : i32
      %dma_start3A_352 = tpu.memref_slice %arg12[%run_scoped3A_25, %dma_start3A_351] : memref<4x128xi32, #tpu.memory_space<vmem>> -> memref<1x128xi32, #tpu.memory_space<vmem>>
      %dma_start3A_353 = tpu.memref_squeeze %dma_start3A_352 : memref<1x128xi32, #tpu.memory_space<vmem>> -> memref<128xi32, #tpu.memory_space<vmem>>
      %dma_start3A_354 = tpu.memref_slice %arg3[%add3A_24] : memref<16384xi32, #tpu.memory_space<hbm>> -> memref<128xi32, #tpu.memory_space<hbm>>
      tpu.enqueue_dma source(%dma_start3A_354 : memref<128xi32, #tpu.memory_space<hbm>>) target(%dma_start3A_353 : memref<128xi32, #tpu.memory_space<vmem>>) target_semaphore(%run_scoped3A_346 : memref<!tpu.dma_semaphore, #tpu.memory_space<semaphore_mem>>)
      %dma_wait3A_355 = arith.constant 0 : i32
      %dma_wait3A_356 = tpu.memref_slice %arg12[%run_scoped3A_25, %dma_wait3A_355] : memref<4x128xi32, #tpu.memory_space<vmem>> -> memref<1x128xi32, #tpu.memory_space<vmem>>
      %dma_wait3A_357 = tpu.memref_squeeze %dma_wait3A_356 : memref<1x128xi32, #tpu.memory_space<vmem>> -> memref<128xi32, #tpu.memory_space<vmem>>
      %dma_wait3A_358 = tpu.memref_slice %arg3[%add3A_24] : memref<16384xi32, #tpu.memory_space<hbm>> -> memref<128xi32, #tpu.memory_space<hbm>>
      %dma_wait3A_359 = arith.constant 0 : i32
      %dma_wait3A_360 = tpu.memref_slice %arg12[%run_scoped3A_25, %dma_wait3A_359] : memref<4x128xi32, #tpu.memory_space<vmem>> -> memref<1x128xi32, #tpu.memory_space<vmem>>
      %dma_wait3A_361 = tpu.memref_squeeze %dma_wait3A_360 : memref<1x128xi32, #tpu.memory_space<vmem>> -> memref<128xi32, #tpu.memory_space<vmem>>
      %dma_wait3A_362 = tpu.memref_slice %arg3[%add3A_24] : memref<16384xi32, #tpu.memory_space<hbm>> -> memref<128xi32, #tpu.memory_space<hbm>>
      tpu.wait_dma2 semaphore(%run_scoped3A_346 : memref<!tpu.dma_semaphore, #tpu.memory_space<semaphore_mem>>) src(%dma_wait3A_362 : memref<128xi32, #tpu.memory_space<hbm>>) dst(%dma_wait3A_361 : memref<128xi32, #tpu.memory_space<vmem>>)
      tpu.yield
    }) : () -> ()
    %dma_start3A = arith.constant 0 : i32
    %dma_start3A_26 = arith.constant 0 : i32
    %dma_start3A_27 = tpu.memref_slice %arg15[%dma_start3A_26] : memref<512xf32, #tpu.memory_space<vmem>> -> memref<128xf32, #tpu.memory_space<vmem>>
    %dma_start3A_28 = arith.constant 0 : i32
    %dma_start3A_29 = tpu.memref_slice %arg12[%dma_start3A, %dma_start3A_28] : memref<4x128xi32, #tpu.memory_space<vmem>> -> memref<1x128xi32, #tpu.memory_space<vmem>>
    %dma_start3A_30 = tpu.memref_squeeze %dma_start3A_29 : memref<1x128xi32, #tpu.memory_space<vmem>> -> memref<128xi32, #tpu.memory_space<vmem>>
    %dma_start3A_31 = arith.constant 0 : i32
    %dma_start3A_32 = tpu.memref_slice %arg5[%dma_start3A_31] : memref<100000xf32, #tpu.memory_space<hbm>> -> memref<100000xf32, #tpu.memory_space<hbm>>
    tpu.enqueue_indirect_dma source(%dma_start3A_32 : memref<100000xf32, #tpu.memory_space<hbm>>) target(%dma_start3A_27 : memref<128xf32, #tpu.memory_space<vmem>>) offsets(%dma_start3A_30 : memref<128xi32, #tpu.memory_space<vmem>>) semaphore(%arg20 : memref<!tpu.dma_semaphore, #tpu.memory_space<semaphore_mem>>)
    %dma_start3A_33 = arith.constant 1 : i32
    %dma_start3A_34 = arith.constant 128 : i32
    %dma_start3A_35 = tpu.memref_slice %arg15[%dma_start3A_34] : memref<512xf32, #tpu.memory_space<vmem>> -> memref<128xf32, #tpu.memory_space<vmem>>
    %dma_start3A_36 = arith.constant 0 : i32
    %dma_start3A_37 = tpu.memref_slice %arg12[%dma_start3A_33, %dma_start3A_36] : memref<4x128xi32, #tpu.memory_space<vmem>> -> memref<1x128xi32, #tpu.memory_space<vmem>>
    %dma_start3A_38 = tpu.memref_squeeze %dma_start3A_37 : memref<1x128xi32, #tpu.memory_space<vmem>> -> memref<128xi32, #tpu.memory_space<vmem>>
    %dma_start3A_39 = arith.constant 0 : i32
    %dma_start3A_40 = tpu.memref_slice %arg5[%dma_start3A_39] : memref<100000xf32, #tpu.memory_space<hbm>> -> memref<100000xf32, #tpu.memory_space<hbm>>
    tpu.enqueue_indirect_dma source(%dma_start3A_40 : memref<100000xf32, #tpu.memory_space<hbm>>) target(%dma_start3A_35 : memref<128xf32, #tpu.memory_space<vmem>>) offsets(%dma_start3A_38 : memref<128xi32, #tpu.memory_space<vmem>>) semaphore(%arg20 : memref<!tpu.dma_semaphore, #tpu.memory_space<semaphore_mem>>)
    %dma_start3A_41 = arith.constant 2 : i32
    %dma_start3A_42 = arith.constant 256 : i32
    %dma_start3A_43 = tpu.memref_slice %arg15[%dma_start3A_42] : memref<512xf32, #tpu.memory_space<vmem>> -> memref<128xf32, #tpu.memory_space<vmem>>
    %dma_start3A_44 = arith.constant 0 : i32
    %dma_start3A_45 = tpu.memref_slice %arg12[%dma_start3A_41, %dma_start3A_44] : memref<4x128xi32, #tpu.memory_space<vmem>> -> memref<1x128xi32, #tpu.memory_space<vmem>>
    %dma_start3A_46 = tpu.memref_squeeze %dma_start3A_45 : memref<1x128xi32, #tpu.memory_space<vmem>> -> memref<128xi32, #tpu.memory_space<vmem>>
    %dma_start3A_47 = arith.constant 0 : i32
    %dma_start3A_48 = tpu.memref_slice %arg5[%dma_start3A_47] : memref<100000xf32, #tpu.memory_space<hbm>> -> memref<100000xf32, #tpu.memory_space<hbm>>
    tpu.enqueue_indirect_dma source(%dma_start3A_48 : memref<100000xf32, #tpu.memory_space<hbm>>) target(%dma_start3A_43 : memref<128xf32, #tpu.memory_space<vmem>>) offsets(%dma_start3A_46 : memref<128xi32, #tpu.memory_space<vmem>>) semaphore(%arg20 : memref<!tpu.dma_semaphore, #tpu.memory_space<semaphore_mem>>)
    %dma_start3A_49 = arith.constant 3 : i32
    %dma_start3A_50 = arith.constant 384 : i32
    %dma_start3A_51 = tpu.memref_slice %arg15[%dma_start3A_50] : memref<512xf32, #tpu.memory_space<vmem>> -> memref<128xf32, #tpu.memory_space<vmem>>
    %dma_start3A_52 = arith.constant 0 : i32
    %dma_start3A_53 = tpu.memref_slice %arg12[%dma_start3A_49, %dma_start3A_52] : memref<4x128xi32, #tpu.memory_space<vmem>> -> memref<1x128xi32, #tpu.memory_space<vmem>>
    %dma_start3A_54 = tpu.memref_squeeze %dma_start3A_53 : memref<1x128xi32, #tpu.memory_space<vmem>> -> memref<128xi32, #tpu.memory_space<vmem>>
    %dma_start3A_55 = arith.constant 0 : i32
    %dma_start3A_56 = tpu.memref_slice %arg5[%dma_start3A_55] : memref<100000xf32, #tpu.memory_space<hbm>> -> memref<100000xf32, #tpu.memory_space<hbm>>
    tpu.enqueue_indirect_dma source(%dma_start3A_56 : memref<100000xf32, #tpu.memory_space<hbm>>) target(%dma_start3A_51 : memref<128xf32, #tpu.memory_space<vmem>>) offsets(%dma_start3A_54 : memref<128xi32, #tpu.memory_space<vmem>>) semaphore(%arg20 : memref<!tpu.dma_semaphore, #tpu.memory_space<semaphore_mem>>)
    %dma_start3A_57 = arith.constant 0 : i32
    %dma_start3A_58 = arith.constant 0 : i32
    %dma_start3A_59 = arith.constant 0 : i32
    %dma_start3A_60 = arith.constant 0 : i32
    %dma_start3A_61 = arith.constant 0 : i32
    %dma_start3A_62 = tpu.memref_slice %arg13[%dma_start3A_58, %dma_start3A_60, %dma_start3A_61] : memref<2x128x128xf32, #tpu.memory_space<vmem>> -> memref<1x128x128xf32, #tpu.memory_space<vmem>>
    %dma_start3A_63 = tpu.memref_squeeze %dma_start3A_62 : memref<1x128x128xf32, #tpu.memory_space<vmem>> -> memref<128x128xf32, #tpu.memory_space<vmem>>
    %dma_start3A_64 = arith.constant 0 : i32
    %dma_start3A_65 = tpu.memref_slice %arg11[%dma_start3A_57, %dma_start3A_64] : memref<4x128xi32, #tpu.memory_space<vmem>> -> memref<1x128xi32, #tpu.memory_space<vmem>>
    %dma_start3A_66 = tpu.memref_squeeze %dma_start3A_65 : memref<1x128xi32, #tpu.memory_space<vmem>> -> memref<128xi32, #tpu.memory_space<vmem>>
    %dma_start3A_67 = arith.constant 0 : i32
    %dma_start3A_68 = arith.constant 0 : i32
    %dma_start3A_69 = tpu.memref_slice %arg4[%dma_start3A_67, %dma_start3A_68] : memref<100000x128xf32, #tpu.memory_space<hbm>> -> memref<100000x128xf32, #tpu.memory_space<hbm>>
    %dma_start3A_70 = tpu.memref_slice %arg19[%dma_start3A_59] : memref<4x!tpu.dma_semaphore, #tpu.memory_space<semaphore_mem>> -> memref<1x!tpu.dma_semaphore, #tpu.memory_space<semaphore_mem>>
    %dma_start3A_71 = tpu.memref_squeeze %dma_start3A_70 : memref<1x!tpu.dma_semaphore, #tpu.memory_space<semaphore_mem>> -> memref<!tpu.dma_semaphore, #tpu.memory_space<semaphore_mem>>
    tpu.enqueue_indirect_dma source(%dma_start3A_69 : memref<100000x128xf32, #tpu.memory_space<hbm>>) target(%dma_start3A_63 : memref<128x128xf32, #tpu.memory_space<vmem>>) offsets(%dma_start3A_66 : memref<128xi32, #tpu.memory_space<vmem>>) semaphore(%dma_start3A_71 : memref<!tpu.dma_semaphore, #tpu.memory_space<semaphore_mem>>)
    %dma_start3A_72 = arith.constant 0 : i32
    %dma_start3A_73 = arith.constant 0 : i32
    %dma_start3A_74 = arith.constant 1 : i32
    %dma_start3A_75 = arith.constant 0 : i32
    %dma_start3A_76 = arith.constant 0 : i32
    %dma_start3A_77 = tpu.memref_slice %arg14[%dma_start3A_73, %dma_start3A_75, %dma_start3A_76] : memref<2x128x128xf32, #tpu.memory_space<vmem>> -> memref<1x128x128xf32, #tpu.memory_space<vmem>>
    %dma_start3A_78 = tpu.memref_squeeze %dma_start3A_77 : memref<1x128x128xf32, #tpu.memory_space<vmem>> -> memref<128x128xf32, #tpu.memory_space<vmem>>
    %dma_start3A_79 = arith.constant 0 : i32
    %dma_start3A_80 = tpu.memref_slice %arg12[%dma_start3A_72, %dma_start3A_79] : memref<4x128xi32, #tpu.memory_space<vmem>> -> memref<1x128xi32, #tpu.memory_space<vmem>>
    %dma_start3A_81 = tpu.memref_squeeze %dma_start3A_80 : memref<1x128xi32, #tpu.memory_space<vmem>> -> memref<128xi32, #tpu.memory_space<vmem>>
    %dma_start3A_82 = arith.constant 0 : i32
    %dma_start3A_83 = arith.constant 0 : i32
    %dma_start3A_84 = tpu.memref_slice %arg4[%dma_start3A_82, %dma_start3A_83] : memref<100000x128xf32, #tpu.memory_space<hbm>> -> memref<100000x128xf32, #tpu.memory_space<hbm>>
    %dma_start3A_85 = tpu.memref_slice %arg19[%dma_start3A_74] : memref<4x!tpu.dma_semaphore, #tpu.memory_space<semaphore_mem>> -> memref<1x!tpu.dma_semaphore, #tpu.memory_space<semaphore_mem>>
    %dma_start3A_86 = tpu.memref_squeeze %dma_start3A_85 : memref<1x!tpu.dma_semaphore, #tpu.memory_space<semaphore_mem>> -> memref<!tpu.dma_semaphore, #tpu.memory_space<semaphore_mem>>
    tpu.enqueue_indirect_dma source(%dma_start3A_84 : memref<100000x128xf32, #tpu.memory_space<hbm>>) target(%dma_start3A_78 : memref<128x128xf32, #tpu.memory_space<vmem>>) offsets(%dma_start3A_81 : memref<128xi32, #tpu.memory_space<vmem>>) semaphore(%dma_start3A_86 : memref<!tpu.dma_semaphore, #tpu.memory_space<semaphore_mem>>)
    %dma_start3A_87 = arith.constant 1 : i32
    %dma_start3A_88 = arith.constant 1 : i32
    %dma_start3A_89 = arith.constant 2 : i32
    %dma_start3A_90 = arith.constant 0 : i32
    %dma_start3A_91 = arith.constant 0 : i32
    %dma_start3A_92 = tpu.memref_slice %arg13[%dma_start3A_88, %dma_start3A_90, %dma_start3A_91] : memref<2x128x128xf32, #tpu.memory_space<vmem>> -> memref<1x128x128xf32, #tpu.memory_space<vmem>>
    %dma_start3A_93 = tpu.memref_squeeze %dma_start3A_92 : memref<1x128x128xf32, #tpu.memory_space<vmem>> -> memref<128x128xf32, #tpu.memory_space<vmem>>
    %dma_start3A_94 = arith.constant 0 : i32
    %dma_start3A_95 = tpu.memref_slice %arg11[%dma_start3A_87, %dma_start3A_94] : memref<4x128xi32, #tpu.memory_space<vmem>> -> memref<1x128xi32, #tpu.memory_space<vmem>>
    %dma_start3A_96 = tpu.memref_squeeze %dma_start3A_95 : memref<1x128xi32, #tpu.memory_space<vmem>> -> memref<128xi32, #tpu.memory_space<vmem>>
    %dma_start3A_97 = arith.constant 0 : i32
    %dma_start3A_98 = arith.constant 0 : i32
    %dma_start3A_99 = tpu.memref_slice %arg4[%dma_start3A_97, %dma_start3A_98] : memref<100000x128xf32, #tpu.memory_space<hbm>> -> memref<100000x128xf32, #tpu.memory_space<hbm>>
    %dma_start3A_100 = tpu.memref_slice %arg19[%dma_start3A_89] : memref<4x!tpu.dma_semaphore, #tpu.memory_space<semaphore_mem>> -> memref<1x!tpu.dma_semaphore, #tpu.memory_space<semaphore_mem>>
    %dma_start3A_101 = tpu.memref_squeeze %dma_start3A_100 : memref<1x!tpu.dma_semaphore, #tpu.memory_space<semaphore_mem>> -> memref<!tpu.dma_semaphore, #tpu.memory_space<semaphore_mem>>
    tpu.enqueue_indirect_dma source(%dma_start3A_99 : memref<100000x128xf32, #tpu.memory_space<hbm>>) target(%dma_start3A_93 : memref<128x128xf32, #tpu.memory_space<vmem>>) offsets(%dma_start3A_96 : memref<128xi32, #tpu.memory_space<vmem>>) semaphore(%dma_start3A_101 : memref<!tpu.dma_semaphore, #tpu.memory_space<semaphore_mem>>)
    %dma_start3A_102 = arith.constant 1 : i32
    %dma_start3A_103 = arith.constant 1 : i32
    %dma_start3A_104 = arith.constant 3 : i32
    %dma_start3A_105 = arith.constant 0 : i32
    %dma_start3A_106 = arith.constant 0 : i32
    %dma_start3A_107 = tpu.memref_slice %arg14[%dma_start3A_103, %dma_start3A_105, %dma_start3A_106] : memref<2x128x128xf32, #tpu.memory_space<vmem>> -> memref<1x128x128xf32, #tpu.memory_space<vmem>>
    %dma_start3A_108 = tpu.memref_squeeze %dma_start3A_107 : memref<1x128x128xf32, #tpu.memory_space<vmem>> -> memref<128x128xf32, #tpu.memory_space<vmem>>
    %dma_start3A_109 = arith.constant 0 : i32
    %dma_start3A_110 = tpu.memref_slice %arg12[%dma_start3A_102, %dma_start3A_109] : memref<4x128xi32, #tpu.memory_space<vmem>> -> memref<1x128xi32, #tpu.memory_space<vmem>>
    %dma_start3A_111 = tpu.memref_squeeze %dma_start3A_110 : memref<1x128xi32, #tpu.memory_space<vmem>> -> memref<128xi32, #tpu.memory_space<vmem>>
    %dma_start3A_112 = arith.constant 0 : i32
    %dma_start3A_113 = arith.constant 0 : i32
    %dma_start3A_114 = tpu.memref_slice %arg4[%dma_start3A_112, %dma_start3A_113] : memref<100000x128xf32, #tpu.memory_space<hbm>> -> memref<100000x128xf32, #tpu.memory_space<hbm>>
    %dma_start3A_115 = tpu.memref_slice %arg19[%dma_start3A_104] : memref<4x!tpu.dma_semaphore, #tpu.memory_space<semaphore_mem>> -> memref<1x!tpu.dma_semaphore, #tpu.memory_space<semaphore_mem>>
    %dma_start3A_116 = tpu.memref_squeeze %dma_start3A_115 : memref<1x!tpu.dma_semaphore, #tpu.memory_space<semaphore_mem>> -> memref<!tpu.dma_semaphore, #tpu.memory_space<semaphore_mem>>
    tpu.enqueue_indirect_dma source(%dma_start3A_114 : memref<100000x128xf32, #tpu.memory_space<hbm>>) target(%dma_start3A_108 : memref<128x128xf32, #tpu.memory_space<vmem>>) offsets(%dma_start3A_111 : memref<128xi32, #tpu.memory_space<vmem>>) semaphore(%dma_start3A_116 : memref<!tpu.dma_semaphore, #tpu.memory_space<semaphore_mem>>)
    %dma_wait3A = arith.constant 0 : i32
    %dma_wait3A_117 = arith.constant 0 : i32
    %dma_wait3A_118 = arith.constant 0 : i32
    %dma_wait3A_119 = arith.constant 0 : i32
    %dma_wait3A_120 = arith.constant 0 : i32
    %dma_wait3A_121 = tpu.memref_slice %arg13[%dma_wait3A_117, %dma_wait3A_119, %dma_wait3A_120] : memref<2x128x128xf32, #tpu.memory_space<vmem>> -> memref<1x128x128xf32, #tpu.memory_space<vmem>>
    %dma_wait3A_122 = tpu.memref_squeeze %dma_wait3A_121 : memref<1x128x128xf32, #tpu.memory_space<vmem>> -> memref<128x128xf32, #tpu.memory_space<vmem>>
    %dma_wait3A_123 = arith.constant 0 : i32
    %dma_wait3A_124 = tpu.memref_slice %arg11[%dma_wait3A, %dma_wait3A_123] : memref<4x128xi32, #tpu.memory_space<vmem>> -> memref<1x128xi32, #tpu.memory_space<vmem>>
    %dma_wait3A_125 = tpu.memref_squeeze %dma_wait3A_124 : memref<1x128xi32, #tpu.memory_space<vmem>> -> memref<128xi32, #tpu.memory_space<vmem>>
    %dma_wait3A_126 = arith.constant 0 : i32
    %dma_wait3A_127 = arith.constant 0 : i32
    %dma_wait3A_128 = tpu.memref_slice %arg4[%dma_wait3A_126, %dma_wait3A_127] : memref<100000x128xf32, #tpu.memory_space<hbm>> -> memref<100000x128xf32, #tpu.memory_space<hbm>>
    %dma_wait3A_129 = tpu.memref_slice %arg19[%dma_wait3A_118] : memref<4x!tpu.dma_semaphore, #tpu.memory_space<semaphore_mem>> -> memref<1x!tpu.dma_semaphore, #tpu.memory_space<semaphore_mem>>
    %dma_wait3A_130 = tpu.memref_squeeze %dma_wait3A_129 : memref<1x!tpu.dma_semaphore, #tpu.memory_space<semaphore_mem>> -> memref<!tpu.dma_semaphore, #tpu.memory_space<semaphore_mem>>
    tpu.wait_indirect_dma semaphore(%dma_wait3A_130 : memref<!tpu.dma_semaphore, #tpu.memory_space<semaphore_mem>>) src(%dma_wait3A_128 : memref<100000x128xf32, #tpu.memory_space<hbm>>) dst(%dma_wait3A_122 : memref<128x128xf32, #tpu.memory_space<vmem>>)
    %dma_wait3A_131 = arith.constant 0 : i32
    %dma_wait3A_132 = arith.constant 0 : i32
    %dma_wait3A_133 = arith.constant 1 : i32
    %dma_wait3A_134 = arith.constant 0 : i32
    %dma_wait3A_135 = arith.constant 0 : i32
    %dma_wait3A_136 = tpu.memref_slice %arg14[%dma_wait3A_132, %dma_wait3A_134, %dma_wait3A_135] : memref<2x128x128xf32, #tpu.memory_space<vmem>> -> memref<1x128x128xf32, #tpu.memory_space<vmem>>
    %dma_wait3A_137 = tpu.memref_squeeze %dma_wait3A_136 : memref<1x128x128xf32, #tpu.memory_space<vmem>> -> memref<128x128xf32, #tpu.memory_space<vmem>>
    %dma_wait3A_138 = arith.constant 0 : i32
    %dma_wait3A_139 = tpu.memref_slice %arg12[%dma_wait3A_131, %dma_wait3A_138] : memref<4x128xi32, #tpu.memory_space<vmem>> -> memref<1x128xi32, #tpu.memory_space<vmem>>
    %dma_wait3A_140 = tpu.memref_squeeze %dma_wait3A_139 : memref<1x128xi32, #tpu.memory_space<vmem>> -> memref<128xi32, #tpu.memory_space<vmem>>
    %dma_wait3A_141 = arith.constant 0 : i32
    %dma_wait3A_142 = arith.constant 0 : i32
    %dma_wait3A_143 = tpu.memref_slice %arg4[%dma_wait3A_141, %dma_wait3A_142] : memref<100000x128xf32, #tpu.memory_space<hbm>> -> memref<100000x128xf32, #tpu.memory_space<hbm>>
    %dma_wait3A_144 = tpu.memref_slice %arg19[%dma_wait3A_133] : memref<4x!tpu.dma_semaphore, #tpu.memory_space<semaphore_mem>> -> memref<1x!tpu.dma_semaphore, #tpu.memory_space<semaphore_mem>>
    %dma_wait3A_145 = tpu.memref_squeeze %dma_wait3A_144 : memref<1x!tpu.dma_semaphore, #tpu.memory_space<semaphore_mem>> -> memref<!tpu.dma_semaphore, #tpu.memory_space<semaphore_mem>>
    tpu.wait_indirect_dma semaphore(%dma_wait3A_145 : memref<!tpu.dma_semaphore, #tpu.memory_space<semaphore_mem>>) src(%dma_wait3A_143 : memref<100000x128xf32, #tpu.memory_space<hbm>>) dst(%dma_wait3A_137 : memref<128x128xf32, #tpu.memory_space<vmem>>)
    %add3A_146 = arith.constant 0 : i32
    %add3A_147 = arith.addi %mul3A_2, %add3A_146 : i32
    %run_scoped3A_148 = arith.constant 0 : i32
    "tpu.region"() ({
      %run_scoped3A_346 = tpu.sem_alloc : memref<!tpu.dma_semaphore, #tpu.memory_space<semaphore_mem>>
      %dma_start3A_347 = arith.constant 0 : i32
      %dma_start3A_348 = arith.constant 0 : i32
      %dma_start3A_349 = tpu.memref_slice %arg13[%run_scoped3A_148, %dma_start3A_347, %dma_start3A_348] : memref<2x128x128xf32, #tpu.memory_space<vmem>> -> memref<1x128x64xf32, #tpu.memory_space<vmem>>
      %dma_start3A_350 = tpu.memref_squeeze %dma_start3A_349 : memref<1x128x64xf32, #tpu.memory_space<vmem>> -> memref<128x64xf32, #tpu.memory_space<vmem>>
      %dma_start3A_351 = arith.constant 0 : i32
      %dma_start3A_352 = tpu.memref_slice %arg7[%add3A_147, %dma_start3A_351] : memref<16384x128xf32, #tpu.memory_space<hbm>> -> memref<128x64xf32, #tpu.memory_space<hbm>>
      %dma_start3A_353 = arith.constant 0 : i32
      %dma_start3A_354 = tpu.memref_slice %arg7[%add3A_147, %dma_start3A_353] : memref<16384x128xf32, #tpu.memory_space<hbm>> -> memref<128x64xf32, #tpu.memory_space<hbm>>
      %dma_start3A_355 = arith.constant 0 : i32
      %dma_start3A_356 = arith.constant 0 : i32
      %dma_start3A_357 = tpu.memref_slice %arg13[%run_scoped3A_148, %dma_start3A_355, %dma_start3A_356] : memref<2x128x128xf32, #tpu.memory_space<vmem>> -> memref<1x128x64xf32, #tpu.memory_space<vmem>>
      %dma_start3A_358 = tpu.memref_squeeze %dma_start3A_357 : memref<1x128x64xf32, #tpu.memory_space<vmem>> -> memref<128x64xf32, #tpu.memory_space<vmem>>
      tpu.enqueue_dma source(%dma_start3A_358 : memref<128x64xf32, #tpu.memory_space<vmem>>) target(%dma_start3A_354 : memref<128x64xf32, #tpu.memory_space<hbm>>) target_semaphore(%run_scoped3A_346 : memref<!tpu.dma_semaphore, #tpu.memory_space<semaphore_mem>>)
      %dma_wait3A_359 = arith.constant 0 : i32
      %dma_wait3A_360 = arith.constant 0 : i32
      %dma_wait3A_361 = tpu.memref_slice %arg13[%run_scoped3A_148, %dma_wait3A_359, %dma_wait3A_360] : memref<2x128x128xf32, #tpu.memory_space<vmem>> -> memref<1x128x64xf32, #tpu.memory_space<vmem>>
      %dma_wait3A_362 = tpu.memref_squeeze %dma_wait3A_361 : memref<1x128x64xf32, #tpu.memory_space<vmem>> -> memref<128x64xf32, #tpu.memory_space<vmem>>
      %dma_wait3A_363 = arith.constant 0 : i32
      %dma_wait3A_364 = tpu.memref_slice %arg7[%add3A_147, %dma_wait3A_363] : memref<16384x128xf32, #tpu.memory_space<hbm>> -> memref<128x64xf32, #tpu.memory_space<hbm>>
      %dma_wait3A_365 = arith.constant 0 : i32
      %dma_wait3A_366 = tpu.memref_slice %arg7[%add3A_147, %dma_wait3A_365] : memref<16384x128xf32, #tpu.memory_space<hbm>> -> memref<128x64xf32, #tpu.memory_space<hbm>>
      %dma_wait3A_367 = arith.constant 0 : i32
      %dma_wait3A_368 = arith.constant 0 : i32
      %dma_wait3A_369 = tpu.memref_slice %arg13[%run_scoped3A_148, %dma_wait3A_367, %dma_wait3A_368] : memref<2x128x128xf32, #tpu.memory_space<vmem>> -> memref<1x128x64xf32, #tpu.memory_space<vmem>>
      %dma_wait3A_370 = tpu.memref_squeeze %dma_wait3A_369 : memref<1x128x64xf32, #tpu.memory_space<vmem>> -> memref<128x64xf32, #tpu.memory_space<vmem>>
      tpu.wait_dma2 semaphore(%run_scoped3A_346 : memref<!tpu.dma_semaphore, #tpu.memory_space<semaphore_mem>>) src(%dma_wait3A_370 : memref<128x64xf32, #tpu.memory_space<vmem>>) dst(%dma_wait3A_366 : memref<128x64xf32, #tpu.memory_space<hbm>>)
      tpu.yield
    }) : () -> ()
    %run_scoped3A_149 = arith.constant 0 : i32
    "tpu.region"() ({
      %run_scoped3A_346 = tpu.sem_alloc : memref<!tpu.dma_semaphore, #tpu.memory_space<semaphore_mem>>
      %dma_start3A_347 = arith.constant 0 : i32
      %dma_start3A_348 = arith.constant 64 : i32
      %dma_start3A_349 = tpu.memref_slice %arg14[%run_scoped3A_149, %dma_start3A_347, %dma_start3A_348] : memref<2x128x128xf32, #tpu.memory_space<vmem>> -> memref<1x128x64xf32, #tpu.memory_space<vmem>>
      %dma_start3A_350 = tpu.memref_squeeze %dma_start3A_349 : memref<1x128x64xf32, #tpu.memory_space<vmem>> -> memref<128x64xf32, #tpu.memory_space<vmem>>
      %dma_start3A_351 = arith.constant 64 : i32
      %dma_start3A_352 = tpu.memref_slice %arg7[%add3A_147, %dma_start3A_351] : memref<16384x128xf32, #tpu.memory_space<hbm>> -> memref<128x64xf32, #tpu.memory_space<hbm>>
      %dma_start3A_353 = arith.constant 64 : i32
      %dma_start3A_354 = tpu.memref_slice %arg7[%add3A_147, %dma_start3A_353] : memref<16384x128xf32, #tpu.memory_space<hbm>> -> memref<128x64xf32, #tpu.memory_space<hbm>>
      %dma_start3A_355 = arith.constant 0 : i32
      %dma_start3A_356 = arith.constant 64 : i32
      %dma_start3A_357 = tpu.memref_slice %arg14[%run_scoped3A_149, %dma_start3A_355, %dma_start3A_356] : memref<2x128x128xf32, #tpu.memory_space<vmem>> -> memref<1x128x64xf32, #tpu.memory_space<vmem>>
      %dma_start3A_358 = tpu.memref_squeeze %dma_start3A_357 : memref<1x128x64xf32, #tpu.memory_space<vmem>> -> memref<128x64xf32, #tpu.memory_space<vmem>>
      tpu.enqueue_dma source(%dma_start3A_358 : memref<128x64xf32, #tpu.memory_space<vmem>>) target(%dma_start3A_354 : memref<128x64xf32, #tpu.memory_space<hbm>>) target_semaphore(%run_scoped3A_346 : memref<!tpu.dma_semaphore, #tpu.memory_space<semaphore_mem>>)
      %dma_wait3A_359 = arith.constant 0 : i32
      %dma_wait3A_360 = arith.constant 64 : i32
      %dma_wait3A_361 = tpu.memref_slice %arg14[%run_scoped3A_149, %dma_wait3A_359, %dma_wait3A_360] : memref<2x128x128xf32, #tpu.memory_space<vmem>> -> memref<1x128x64xf32, #tpu.memory_space<vmem>>
      %dma_wait3A_362 = tpu.memref_squeeze %dma_wait3A_361 : memref<1x128x64xf32, #tpu.memory_space<vmem>> -> memref<128x64xf32, #tpu.memory_space<vmem>>
      %dma_wait3A_363 = arith.constant 64 : i32
      %dma_wait3A_364 = tpu.memref_slice %arg7[%add3A_147, %dma_wait3A_363] : memref<16384x128xf32, #tpu.memory_space<hbm>> -> memref<128x64xf32, #tpu.memory_space<hbm>>
      %dma_wait3A_365 = arith.constant 64 : i32
      %dma_wait3A_366 = tpu.memref_slice %arg7[%add3A_147, %dma_wait3A_365] : memref<16384x128xf32, #tpu.memory_space<hbm>> -> memref<128x64xf32, #tpu.memory_space<hbm>>
      %dma_wait3A_367 = arith.constant 0 : i32
      %dma_wait3A_368 = arith.constant 64 : i32
      %dma_wait3A_369 = tpu.memref_slice %arg14[%run_scoped3A_149, %dma_wait3A_367, %dma_wait3A_368] : memref<2x128x128xf32, #tpu.memory_space<vmem>> -> memref<1x128x64xf32, #tpu.memory_space<vmem>>
      %dma_wait3A_370 = tpu.memref_squeeze %dma_wait3A_369 : memref<1x128x64xf32, #tpu.memory_space<vmem>> -> memref<128x64xf32, #tpu.memory_space<vmem>>
      tpu.wait_dma2 semaphore(%run_scoped3A_346 : memref<!tpu.dma_semaphore, #tpu.memory_space<semaphore_mem>>) src(%dma_wait3A_370 : memref<128x64xf32, #tpu.memory_space<vmem>>) dst(%dma_wait3A_366 : memref<128x64xf32, #tpu.memory_space<hbm>>)
      tpu.yield
    }) : () -> ()
    %dma_start3A_150 = arith.constant 2 : i32
    %dma_start3A_151 = arith.constant 0 : i32
    %dma_start3A_152 = arith.constant 0 : i32
    %dma_start3A_153 = arith.constant 0 : i32
    %dma_start3A_154 = arith.constant 0 : i32
    %dma_start3A_155 = tpu.memref_slice %arg13[%dma_start3A_151, %dma_start3A_153, %dma_start3A_154] : memref<2x128x128xf32, #tpu.memory_space<vmem>> -> memref<1x128x128xf32, #tpu.memory_space<vmem>>
    %dma_start3A_156 = tpu.memref_squeeze %dma_start3A_155 : memref<1x128x128xf32, #tpu.memory_space<vmem>> -> memref<128x128xf32, #tpu.memory_space<vmem>>
    %dma_start3A_157 = arith.constant 0 : i32
    %dma_start3A_158 = tpu.memref_slice %arg11[%dma_start3A_150, %dma_start3A_157] : memref<4x128xi32, #tpu.memory_space<vmem>> -> memref<1x128xi32, #tpu.memory_space<vmem>>
    %dma_start3A_159 = tpu.memref_squeeze %dma_start3A_158 : memref<1x128xi32, #tpu.memory_space<vmem>> -> memref<128xi32, #tpu.memory_space<vmem>>
    %dma_start3A_160 = arith.constant 0 : i32
    %dma_start3A_161 = arith.constant 0 : i32
    %dma_start3A_162 = tpu.memref_slice %arg4[%dma_start3A_160, %dma_start3A_161] : memref<100000x128xf32, #tpu.memory_space<hbm>> -> memref<100000x128xf32, #tpu.memory_space<hbm>>
    %dma_start3A_163 = tpu.memref_slice %arg19[%dma_start3A_152] : memref<4x!tpu.dma_semaphore, #tpu.memory_space<semaphore_mem>> -> memref<1x!tpu.dma_semaphore, #tpu.memory_space<semaphore_mem>>
    %dma_start3A_164 = tpu.memref_squeeze %dma_start3A_163 : memref<1x!tpu.dma_semaphore, #tpu.memory_space<semaphore_mem>> -> memref<!tpu.dma_semaphore, #tpu.memory_space<semaphore_mem>>
    tpu.enqueue_indirect_dma source(%dma_start3A_162 : memref<100000x128xf32, #tpu.memory_space<hbm>>) target(%dma_start3A_156 : memref<128x128xf32, #tpu.memory_space<vmem>>) offsets(%dma_start3A_159 : memref<128xi32, #tpu.memory_space<vmem>>) semaphore(%dma_start3A_164 : memref<!tpu.dma_semaphore, #tpu.memory_space<semaphore_mem>>)
    %dma_start3A_165 = arith.constant 2 : i32
    %dma_start3A_166 = arith.constant 0 : i32
    %dma_start3A_167 = arith.constant 1 : i32
    %dma_start3A_168 = arith.constant 0 : i32
    %dma_start3A_169 = arith.constant 0 : i32
    %dma_start3A_170 = tpu.memref_slice %arg14[%dma_start3A_166, %dma_start3A_168, %dma_start3A_169] : memref<2x128x128xf32, #tpu.memory_space<vmem>> -> memref<1x128x128xf32, #tpu.memory_space<vmem>>
    %dma_start3A_171 = tpu.memref_squeeze %dma_start3A_170 : memref<1x128x128xf32, #tpu.memory_space<vmem>> -> memref<128x128xf32, #tpu.memory_space<vmem>>
    %dma_start3A_172 = arith.constant 0 : i32
    %dma_start3A_173 = tpu.memref_slice %arg12[%dma_start3A_165, %dma_start3A_172] : memref<4x128xi32, #tpu.memory_space<vmem>> -> memref<1x128xi32, #tpu.memory_space<vmem>>
    %dma_start3A_174 = tpu.memref_squeeze %dma_start3A_173 : memref<1x128xi32, #tpu.memory_space<vmem>> -> memref<128xi32, #tpu.memory_space<vmem>>
    %dma_start3A_175 = arith.constant 0 : i32
    %dma_start3A_176 = arith.constant 0 : i32
    %dma_start3A_177 = tpu.memref_slice %arg4[%dma_start3A_175, %dma_start3A_176] : memref<100000x128xf32, #tpu.memory_space<hbm>> -> memref<100000x128xf32, #tpu.memory_space<hbm>>
    %dma_start3A_178 = tpu.memref_slice %arg19[%dma_start3A_167] : memref<4x!tpu.dma_semaphore, #tpu.memory_space<semaphore_mem>> -> memref<1x!tpu.dma_semaphore, #tpu.memory_space<semaphore_mem>>
    %dma_start3A_179 = tpu.memref_squeeze %dma_start3A_178 : memref<1x!tpu.dma_semaphore, #tpu.memory_space<semaphore_mem>> -> memref<!tpu.dma_semaphore, #tpu.memory_space<semaphore_mem>>
    tpu.enqueue_indirect_dma source(%dma_start3A_177 : memref<100000x128xf32, #tpu.memory_space<hbm>>) target(%dma_start3A_171 : memref<128x128xf32, #tpu.memory_space<vmem>>) offsets(%dma_start3A_174 : memref<128xi32, #tpu.memory_space<vmem>>) semaphore(%dma_start3A_179 : memref<!tpu.dma_semaphore, #tpu.memory_space<semaphore_mem>>)
    %dma_wait3A_180 = arith.constant 1 : i32
    %dma_wait3A_181 = arith.constant 1 : i32
    %dma_wait3A_182 = arith.constant 2 : i32
    %dma_wait3A_183 = arith.constant 0 : i32
    %dma_wait3A_184 = arith.constant 0 : i32
    %dma_wait3A_185 = tpu.memref_slice %arg13[%dma_wait3A_181, %dma_wait3A_183, %dma_wait3A_184] : memref<2x128x128xf32, #tpu.memory_space<vmem>> -> memref<1x128x128xf32, #tpu.memory_space<vmem>>
    %dma_wait3A_186 = tpu.memref_squeeze %dma_wait3A_185 : memref<1x128x128xf32, #tpu.memory_space<vmem>> -> memref<128x128xf32, #tpu.memory_space<vmem>>
    %dma_wait3A_187 = arith.constant 0 : i32
    %dma_wait3A_188 = tpu.memref_slice %arg11[%dma_wait3A_180, %dma_wait3A_187] : memref<4x128xi32, #tpu.memory_space<vmem>> -> memref<1x128xi32, #tpu.memory_space<vmem>>
    %dma_wait3A_189 = tpu.memref_squeeze %dma_wait3A_188 : memref<1x128xi32, #tpu.memory_space<vmem>> -> memref<128xi32, #tpu.memory_space<vmem>>
    %dma_wait3A_190 = arith.constant 0 : i32
    %dma_wait3A_191 = arith.constant 0 : i32
    %dma_wait3A_192 = tpu.memref_slice %arg4[%dma_wait3A_190, %dma_wait3A_191] : memref<100000x128xf32, #tpu.memory_space<hbm>> -> memref<100000x128xf32, #tpu.memory_space<hbm>>
    %dma_wait3A_193 = tpu.memref_slice %arg19[%dma_wait3A_182] : memref<4x!tpu.dma_semaphore, #tpu.memory_space<semaphore_mem>> -> memref<1x!tpu.dma_semaphore, #tpu.memory_space<semaphore_mem>>
    %dma_wait3A_194 = tpu.memref_squeeze %dma_wait3A_193 : memref<1x!tpu.dma_semaphore, #tpu.memory_space<semaphore_mem>> -> memref<!tpu.dma_semaphore, #tpu.memory_space<semaphore_mem>>
    tpu.wait_indirect_dma semaphore(%dma_wait3A_194 : memref<!tpu.dma_semaphore, #tpu.memory_space<semaphore_mem>>) src(%dma_wait3A_192 : memref<100000x128xf32, #tpu.memory_space<hbm>>) dst(%dma_wait3A_186 : memref<128x128xf32, #tpu.memory_space<vmem>>)
    %dma_wait3A_195 = arith.constant 1 : i32
    %dma_wait3A_196 = arith.constant 1 : i32
    %dma_wait3A_197 = arith.constant 3 : i32
    %dma_wait3A_198 = arith.constant 0 : i32
    %dma_wait3A_199 = arith.constant 0 : i32
    %dma_wait3A_200 = tpu.memref_slice %arg14[%dma_wait3A_196, %dma_wait3A_198, %dma_wait3A_199] : memref<2x128x128xf32, #tpu.memory_space<vmem>> -> memref<1x128x128xf32, #tpu.memory_space<vmem>>
    %dma_wait3A_201 = tpu.memref_squeeze %dma_wait3A_200 : memref<1x128x128xf32, #tpu.memory_space<vmem>> -> memref<128x128xf32, #tpu.memory_space<vmem>>
    %dma_wait3A_202 = arith.constant 0 : i32
    %dma_wait3A_203 = tpu.memref_slice %arg12[%dma_wait3A_195, %dma_wait3A_202] : memref<4x128xi32, #tpu.memory_space<vmem>> -> memref<1x128xi32, #tpu.memory_space<vmem>>
    %dma_wait3A_204 = tpu.memref_squeeze %dma_wait3A_203 : memref<1x128xi32, #tpu.memory_space<vmem>> -> memref<128xi32, #tpu.memory_space<vmem>>
    %dma_wait3A_205 = arith.constant 0 : i32
    %dma_wait3A_206 = arith.constant 0 : i32
    %dma_wait3A_207 = tpu.memref_slice %arg4[%dma_wait3A_205, %dma_wait3A_206] : memref<100000x128xf32, #tpu.memory_space<hbm>> -> memref<100000x128xf32, #tpu.memory_space<hbm>>
    %dma_wait3A_208 = tpu.memref_slice %arg19[%dma_wait3A_197] : memref<4x!tpu.dma_semaphore, #tpu.memory_space<semaphore_mem>> -> memref<1x!tpu.dma_semaphore, #tpu.memory_space<semaphore_mem>>
    %dma_wait3A_209 = tpu.memref_squeeze %dma_wait3A_208 : memref<1x!tpu.dma_semaphore, #tpu.memory_space<semaphore_mem>> -> memref<!tpu.dma_semaphore, #tpu.memory_space<semaphore_mem>>
    tpu.wait_indirect_dma semaphore(%dma_wait3A_209 : memref<!tpu.dma_semaphore, #tpu.memory_space<semaphore_mem>>) src(%dma_wait3A_207 : memref<100000x128xf32, #tpu.memory_space<hbm>>) dst(%dma_wait3A_201 : memref<128x128xf32, #tpu.memory_space<vmem>>)
    %add3A_210 = arith.constant 128 : i32
    %add3A_211 = arith.addi %mul3A_2, %add3A_210 : i32
    %run_scoped3A_212 = arith.constant 1 : i32
    "tpu.region"() ({
      %run_scoped3A_346 = tpu.sem_alloc : memref<!tpu.dma_semaphore, #tpu.memory_space<semaphore_mem>>
      %dma_start3A_347 = arith.constant 0 : i32
      %dma_start3A_348 = arith.constant 0 : i32
      %dma_start3A_349 = tpu.memref_slice %arg13[%run_scoped3A_212, %dma_start3A_347, %dma_start3A_348] : memref<2x128x128xf32, #tpu.memory_space<vmem>> -> memref<1x128x64xf32, #tpu.memory_space<vmem>>
      %dma_start3A_350 = tpu.memref_squeeze %dma_start3A_349 : memref<1x128x64xf32, #tpu.memory_space<vmem>> -> memref<128x64xf32, #tpu.memory_space<vmem>>
      %dma_start3A_351 = arith.constant 0 : i32
      %dma_start3A_352 = tpu.memref_slice %arg7[%add3A_211, %dma_start3A_351] : memref<16384x128xf32, #tpu.memory_space<hbm>> -> memref<128x64xf32, #tpu.memory_space<hbm>>
      %dma_start3A_353 = arith.constant 0 : i32
      %dma_start3A_354 = tpu.memref_slice %arg7[%add3A_211, %dma_start3A_353] : memref<16384x128xf32, #tpu.memory_space<hbm>> -> memref<128x64xf32, #tpu.memory_space<hbm>>
      %dma_start3A_355 = arith.constant 0 : i32
      %dma_start3A_356 = arith.constant 0 : i32
      %dma_start3A_357 = tpu.memref_slice %arg13[%run_scoped3A_212, %dma_start3A_355, %dma_start3A_356] : memref<2x128x128xf32, #tpu.memory_space<vmem>> -> memref<1x128x64xf32, #tpu.memory_space<vmem>>
      %dma_start3A_358 = tpu.memref_squeeze %dma_start3A_357 : memref<1x128x64xf32, #tpu.memory_space<vmem>> -> memref<128x64xf32, #tpu.memory_space<vmem>>
      tpu.enqueue_dma source(%dma_start3A_358 : memref<128x64xf32, #tpu.memory_space<vmem>>) target(%dma_start3A_354 : memref<128x64xf32, #tpu.memory_space<hbm>>) target_semaphore(%run_scoped3A_346 : memref<!tpu.dma_semaphore, #tpu.memory_space<semaphore_mem>>)
      %dma_wait3A_359 = arith.constant 0 : i32
      %dma_wait3A_360 = arith.constant 0 : i32
      %dma_wait3A_361 = tpu.memref_slice %arg13[%run_scoped3A_212, %dma_wait3A_359, %dma_wait3A_360] : memref<2x128x128xf32, #tpu.memory_space<vmem>> -> memref<1x128x64xf32, #tpu.memory_space<vmem>>
      %dma_wait3A_362 = tpu.memref_squeeze %dma_wait3A_361 : memref<1x128x64xf32, #tpu.memory_space<vmem>> -> memref<128x64xf32, #tpu.memory_space<vmem>>
      %dma_wait3A_363 = arith.constant 0 : i32
      %dma_wait3A_364 = tpu.memref_slice %arg7[%add3A_211, %dma_wait3A_363] : memref<16384x128xf32, #tpu.memory_space<hbm>> -> memref<128x64xf32, #tpu.memory_space<hbm>>
      %dma_wait3A_365 = arith.constant 0 : i32
      %dma_wait3A_366 = tpu.memref_slice %arg7[%add3A_211, %dma_wait3A_365] : memref<16384x128xf32, #tpu.memory_space<hbm>> -> memref<128x64xf32, #tpu.memory_space<hbm>>
      %dma_wait3A_367 = arith.constant 0 : i32
      %dma_wait3A_368 = arith.constant 0 : i32
      %dma_wait3A_369 = tpu.memref_slice %arg13[%run_scoped3A_212, %dma_wait3A_367, %dma_wait3A_368] : memref<2x128x128xf32, #tpu.memory_space<vmem>> -> memref<1x128x64xf32, #tpu.memory_space<vmem>>
      %dma_wait3A_370 = tpu.memref_squeeze %dma_wait3A_369 : memref<1x128x64xf32, #tpu.memory_space<vmem>> -> memref<128x64xf32, #tpu.memory_space<vmem>>
      tpu.wait_dma2 semaphore(%run_scoped3A_346 : memref<!tpu.dma_semaphore, #tpu.memory_space<semaphore_mem>>) src(%dma_wait3A_370 : memref<128x64xf32, #tpu.memory_space<vmem>>) dst(%dma_wait3A_366 : memref<128x64xf32, #tpu.memory_space<hbm>>)
      tpu.yield
    }) : () -> ()
    %run_scoped3A_213 = arith.constant 1 : i32
    "tpu.region"() ({
      %run_scoped3A_346 = tpu.sem_alloc : memref<!tpu.dma_semaphore, #tpu.memory_space<semaphore_mem>>
      %dma_start3A_347 = arith.constant 0 : i32
      %dma_start3A_348 = arith.constant 64 : i32
      %dma_start3A_349 = tpu.memref_slice %arg14[%run_scoped3A_213, %dma_start3A_347, %dma_start3A_348] : memref<2x128x128xf32, #tpu.memory_space<vmem>> -> memref<1x128x64xf32, #tpu.memory_space<vmem>>
      %dma_start3A_350 = tpu.memref_squeeze %dma_start3A_349 : memref<1x128x64xf32, #tpu.memory_space<vmem>> -> memref<128x64xf32, #tpu.memory_space<vmem>>
      %dma_start3A_351 = arith.constant 64 : i32
      %dma_start3A_352 = tpu.memref_slice %arg7[%add3A_211, %dma_start3A_351] : memref<16384x128xf32, #tpu.memory_space<hbm>> -> memref<128x64xf32, #tpu.memory_space<hbm>>
      %dma_start3A_353 = arith.constant 64 : i32
      %dma_start3A_354 = tpu.memref_slice %arg7[%add3A_211, %dma_start3A_353] : memref<16384x128xf32, #tpu.memory_space<hbm>> -> memref<128x64xf32, #tpu.memory_space<hbm>>
      %dma_start3A_355 = arith.constant 0 : i32
      %dma_start3A_356 = arith.constant 64 : i32
      %dma_start3A_357 = tpu.memref_slice %arg14[%run_scoped3A_213, %dma_start3A_355, %dma_start3A_356] : memref<2x128x128xf32, #tpu.memory_space<vmem>> -> memref<1x128x64xf32, #tpu.memory_space<vmem>>
      %dma_start3A_358 = tpu.memref_squeeze %dma_start3A_357 : memref<1x128x64xf32, #tpu.memory_space<vmem>> -> memref<128x64xf32, #tpu.memory_space<vmem>>
      tpu.enqueue_dma source(%dma_start3A_358 : memref<128x64xf32, #tpu.memory_space<vmem>>) target(%dma_start3A_354 : memref<128x64xf32, #tpu.memory_space<hbm>>) target_semaphore(%run_scoped3A_346 : memref<!tpu.dma_semaphore, #tpu.memory_space<semaphore_mem>>)
      %dma_wait3A_359 = arith.constant 0 : i32
      %dma_wait3A_360 = arith.constant 64 : i32
      %dma_wait3A_361 = tpu.memref_slice %arg14[%run_scoped3A_213, %dma_wait3A_359, %dma_wait3A_360] : memref<2x128x128xf32, #tpu.memory_space<vmem>> -> memref<1x128x64xf32, #tpu.memory_space<vmem>>
      %dma_wait3A_362 = tpu.memref_squeeze %dma_wait3A_361 : memref<1x128x64xf32, #tpu.memory_space<vmem>> -> memref<128x64xf32, #tpu.memory_space<vmem>>
      %dma_wait3A_363 = arith.constant 64 : i32
      %dma_wait3A_364 = tpu.memref_slice %arg7[%add3A_211, %dma_wait3A_363] : memref<16384x128xf32, #tpu.memory_space<hbm>> -> memref<128x64xf32, #tpu.memory_space<hbm>>
      %dma_wait3A_365 = arith.constant 64 : i32
      %dma_wait3A_366 = tpu.memref_slice %arg7[%add3A_211, %dma_wait3A_365] : memref<16384x128xf32, #tpu.memory_space<hbm>> -> memref<128x64xf32, #tpu.memory_space<hbm>>
      %dma_wait3A_367 = arith.constant 0 : i32
      %dma_wait3A_368 = arith.constant 64 : i32
      %dma_wait3A_369 = tpu.memref_slice %arg14[%run_scoped3A_213, %dma_wait3A_367, %dma_wait3A_368] : memref<2x128x128xf32, #tpu.memory_space<vmem>> -> memref<1x128x64xf32, #tpu.memory_space<vmem>>
      %dma_wait3A_370 = tpu.memref_squeeze %dma_wait3A_369 : memref<1x128x64xf32, #tpu.memory_space<vmem>> -> memref<128x64xf32, #tpu.memory_space<vmem>>
      tpu.wait_dma2 semaphore(%run_scoped3A_346 : memref<!tpu.dma_semaphore, #tpu.memory_space<semaphore_mem>>) src(%dma_wait3A_370 : memref<128x64xf32, #tpu.memory_space<vmem>>) dst(%dma_wait3A_366 : memref<128x64xf32, #tpu.memory_space<hbm>>)
      tpu.yield
    }) : () -> ()
    %dma_start3A_214 = arith.constant 3 : i32
    %dma_start3A_215 = arith.constant 1 : i32
    %dma_start3A_216 = arith.constant 2 : i32
    %dma_start3A_217 = arith.constant 0 : i32
    %dma_start3A_218 = arith.constant 0 : i32
    %dma_start3A_219 = tpu.memref_slice %arg13[%dma_start3A_215, %dma_start3A_217, %dma_start3A_218] : memref<2x128x128xf32, #tpu.memory_space<vmem>> -> memref<1x128x128xf32, #tpu.memory_space<vmem>>
    %dma_start3A_220 = tpu.memref_squeeze %dma_start3A_219 : memref<1x128x128xf32, #tpu.memory_space<vmem>> -> memref<128x128xf32, #tpu.memory_space<vmem>>
    %dma_start3A_221 = arith.constant 0 : i32
    %dma_start3A_222 = tpu.memref_slice %arg11[%dma_start3A_214, %dma_start3A_221] : memref<4x128xi32, #tpu.memory_space<vmem>> -> memref<1x128xi32, #tpu.memory_space<vmem>>
    %dma_start3A_223 = tpu.memref_squeeze %dma_start3A_222 : memref<1x128xi32, #tpu.memory_space<vmem>> -> memref<128xi32, #tpu.memory_space<vmem>>
    %dma_start3A_224 = arith.constant 0 : i32
    %dma_start3A_225 = arith.constant 0 : i32
    %dma_start3A_226 = tpu.memref_slice %arg4[%dma_start3A_224, %dma_start3A_225] : memref<100000x128xf32, #tpu.memory_space<hbm>> -> memref<100000x128xf32, #tpu.memory_space<hbm>>
    %dma_start3A_227 = tpu.memref_slice %arg19[%dma_start3A_216] : memref<4x!tpu.dma_semaphore, #tpu.memory_space<semaphore_mem>> -> memref<1x!tpu.dma_semaphore, #tpu.memory_space<semaphore_mem>>
    %dma_start3A_228 = tpu.memref_squeeze %dma_start3A_227 : memref<1x!tpu.dma_semaphore, #tpu.memory_space<semaphore_mem>> -> memref<!tpu.dma_semaphore, #tpu.memory_space<semaphore_mem>>
    tpu.enqueue_indirect_dma source(%dma_start3A_226 : memref<100000x128xf32, #tpu.memory_space<hbm>>) target(%dma_start3A_220 : memref<128x128xf32, #tpu.memory_space<vmem>>) offsets(%dma_start3A_223 : memref<128xi32, #tpu.memory_space<vmem>>) semaphore(%dma_start3A_228 : memref<!tpu.dma_semaphore, #tpu.memory_space<semaphore_mem>>)
    %dma_start3A_229 = arith.constant 3 : i32
    %dma_start3A_230 = arith.constant 1 : i32
    %dma_start3A_231 = arith.constant 3 : i32
    %dma_start3A_232 = arith.constant 0 : i32
    %dma_start3A_233 = arith.constant 0 : i32
    %dma_start3A_234 = tpu.memref_slice %arg14[%dma_start3A_230, %dma_start3A_232, %dma_start3A_233] : memref<2x128x128xf32, #tpu.memory_space<vmem>> -> memref<1x128x128xf32, #tpu.memory_space<vmem>>
    %dma_start3A_235 = tpu.memref_squeeze %dma_start3A_234 : memref<1x128x128xf32, #tpu.memory_space<vmem>> -> memref<128x128xf32, #tpu.memory_space<vmem>>
    %dma_start3A_236 = arith.constant 0 : i32
    %dma_start3A_237 = tpu.memref_slice %arg12[%dma_start3A_229, %dma_start3A_236] : memref<4x128xi32, #tpu.memory_space<vmem>> -> memref<1x128xi32, #tpu.memory_space<vmem>>
    %dma_start3A_238 = tpu.memref_squeeze %dma_start3A_237 : memref<1x128xi32, #tpu.memory_space<vmem>> -> memref<128xi32, #tpu.memory_space<vmem>>
    %dma_start3A_239 = arith.constant 0 : i32
    %dma_start3A_240 = arith.constant 0 : i32
    %dma_start3A_241 = tpu.memref_slice %arg4[%dma_start3A_239, %dma_start3A_240] : memref<100000x128xf32, #tpu.memory_space<hbm>> -> memref<100000x128xf32, #tpu.memory_space<hbm>>
    %dma_start3A_242 = tpu.memref_slice %arg19[%dma_start3A_231] : memref<4x!tpu.dma_semaphore, #tpu.memory_space<semaphore_mem>> -> memref<1x!tpu.dma_semaphore, #tpu.memory_space<semaphore_mem>>
    %dma_start3A_243 = tpu.memref_squeeze %dma_start3A_242 : memref<1x!tpu.dma_semaphore, #tpu.memory_space<semaphore_mem>> -> memref<!tpu.dma_semaphore, #tpu.memory_space<semaphore_mem>>
    tpu.enqueue_indirect_dma source(%dma_start3A_241 : memref<100000x128xf32, #tpu.memory_space<hbm>>) target(%dma_start3A_235 : memref<128x128xf32, #tpu.memory_space<vmem>>) offsets(%dma_start3A_238 : memref<128xi32, #tpu.memory_space<vmem>>) semaphore(%dma_start3A_243 : memref<!tpu.dma_semaphore, #tpu.memory_space<semaphore_mem>>)
    %dma_wait3A_244 = arith.constant 2 : i32
    %dma_wait3A_245 = arith.constant 0 : i32
    %dma_wait3A_246 = arith.constant 0 : i32
    %dma_wait3A_247 = arith.constant 0 : i32
    %dma_wait3A_248 = arith.constant 0 : i32
    %dma_wait3A_249 = tpu.memref_slice %arg13[%dma_wait3A_245, %dma_wait3A_247, %dma_wait3A_248] : memref<2x128x128xf32, #tpu.memory_space<vmem>> -> memref<1x128x128xf32, #tpu.memory_space<vmem>>
    %dma_wait3A_250 = tpu.memref_squeeze %dma_wait3A_249 : memref<1x128x128xf32, #tpu.memory_space<vmem>> -> memref<128x128xf32, #tpu.memory_space<vmem>>
    %dma_wait3A_251 = arith.constant 0 : i32
    %dma_wait3A_252 = tpu.memref_slice %arg11[%dma_wait3A_244, %dma_wait3A_251] : memref<4x128xi32, #tpu.memory_space<vmem>> -> memref<1x128xi32, #tpu.memory_space<vmem>>
    %dma_wait3A_253 = tpu.memref_squeeze %dma_wait3A_252 : memref<1x128xi32, #tpu.memory_space<vmem>> -> memref<128xi32, #tpu.memory_space<vmem>>
    %dma_wait3A_254 = arith.constant 0 : i32
    %dma_wait3A_255 = arith.constant 0 : i32
    %dma_wait3A_256 = tpu.memref_slice %arg4[%dma_wait3A_254, %dma_wait3A_255] : memref<100000x128xf32, #tpu.memory_space<hbm>> -> memref<100000x128xf32, #tpu.memory_space<hbm>>
    %dma_wait3A_257 = tpu.memref_slice %arg19[%dma_wait3A_246] : memref<4x!tpu.dma_semaphore, #tpu.memory_space<semaphore_mem>> -> memref<1x!tpu.dma_semaphore, #tpu.memory_space<semaphore_mem>>
    %dma_wait3A_258 = tpu.memref_squeeze %dma_wait3A_257 : memref<1x!tpu.dma_semaphore, #tpu.memory_space<semaphore_mem>> -> memref<!tpu.dma_semaphore, #tpu.memory_space<semaphore_mem>>
    tpu.wait_indirect_dma semaphore(%dma_wait3A_258 : memref<!tpu.dma_semaphore, #tpu.memory_space<semaphore_mem>>) src(%dma_wait3A_256 : memref<100000x128xf32, #tpu.memory_space<hbm>>) dst(%dma_wait3A_250 : memref<128x128xf32, #tpu.memory_space<vmem>>)
    %dma_wait3A_259 = arith.constant 2 : i32
    %dma_wait3A_260 = arith.constant 0 : i32
    %dma_wait3A_261 = arith.constant 1 : i32
    %dma_wait3A_262 = arith.constant 0 : i32
    %dma_wait3A_263 = arith.constant 0 : i32
    %dma_wait3A_264 = tpu.memref_slice %arg14[%dma_wait3A_260, %dma_wait3A_262, %dma_wait3A_263] : memref<2x128x128xf32, #tpu.memory_space<vmem>> -> memref<1x128x128xf32, #tpu.memory_space<vmem>>
    %dma_wait3A_265 = tpu.memref_squeeze %dma_wait3A_264 : memref<1x128x128xf32, #tpu.memory_space<vmem>> -> memref<128x128xf32, #tpu.memory_space<vmem>>
    %dma_wait3A_266 = arith.constant 0 : i32
    %dma_wait3A_267 = tpu.memref_slice %arg12[%dma_wait3A_259, %dma_wait3A_266] : memref<4x128xi32, #tpu.memory_space<vmem>> -> memref<1x128xi32, #tpu.memory_space<vmem>>
    %dma_wait3A_268 = tpu.memref_squeeze %dma_wait3A_267 : memref<1x128xi32, #tpu.memory_space<vmem>> -> memref<128xi32, #tpu.memory_space<vmem>>
    %dma_wait3A_269 = arith.constant 0 : i32
    %dma_wait3A_270 = arith.constant 0 : i32
    %dma_wait3A_271 = tpu.memref_slice %arg4[%dma_wait3A_269, %dma_wait3A_270] : memref<100000x128xf32, #tpu.memory_space<hbm>> -> memref<100000x128xf32, #tpu.memory_space<hbm>>
    %dma_wait3A_272 = tpu.memref_slice %arg19[%dma_wait3A_261] : memref<4x!tpu.dma_semaphore, #tpu.memory_space<semaphore_mem>> -> memref<1x!tpu.dma_semaphore, #tpu.memory_space<semaphore_mem>>
    %dma_wait3A_273 = tpu.memref_squeeze %dma_wait3A_272 : memref<1x!tpu.dma_semaphore, #tpu.memory_space<semaphore_mem>> -> memref<!tpu.dma_semaphore, #tpu.memory_space<semaphore_mem>>
    tpu.wait_indirect_dma semaphore(%dma_wait3A_273 : memref<!tpu.dma_semaphore, #tpu.memory_space<semaphore_mem>>) src(%dma_wait3A_271 : memref<100000x128xf32, #tpu.memory_space<hbm>>) dst(%dma_wait3A_265 : memref<128x128xf32, #tpu.memory_space<vmem>>)
    %add3A_274 = arith.constant 256 : i32
    %add3A_275 = arith.addi %mul3A_2, %add3A_274 : i32
    %run_scoped3A_276 = arith.constant 0 : i32
    "tpu.region"() ({
      %run_scoped3A_346 = tpu.sem_alloc : memref<!tpu.dma_semaphore, #tpu.memory_space<semaphore_mem>>
      %dma_start3A_347 = arith.constant 0 : i32
      %dma_start3A_348 = arith.constant 0 : i32
      %dma_start3A_349 = tpu.memref_slice %arg13[%run_scoped3A_276, %dma_start3A_347, %dma_start3A_348] : memref<2x128x128xf32, #tpu.memory_space<vmem>> -> memref<1x128x64xf32, #tpu.memory_space<vmem>>
      %dma_start3A_350 = tpu.memref_squeeze %dma_start3A_349 : memref<1x128x64xf32, #tpu.memory_space<vmem>> -> memref<128x64xf32, #tpu.memory_space<vmem>>
      %dma_start3A_351 = arith.constant 0 : i32
      %dma_start3A_352 = tpu.memref_slice %arg7[%add3A_275, %dma_start3A_351] : memref<16384x128xf32, #tpu.memory_space<hbm>> -> memref<128x64xf32, #tpu.memory_space<hbm>>
      %dma_start3A_353 = arith.constant 0 : i32
      %dma_start3A_354 = tpu.memref_slice %arg7[%add3A_275, %dma_start3A_353] : memref<16384x128xf32, #tpu.memory_space<hbm>> -> memref<128x64xf32, #tpu.memory_space<hbm>>
      %dma_start3A_355 = arith.constant 0 : i32
      %dma_start3A_356 = arith.constant 0 : i32
      %dma_start3A_357 = tpu.memref_slice %arg13[%run_scoped3A_276, %dma_start3A_355, %dma_start3A_356] : memref<2x128x128xf32, #tpu.memory_space<vmem>> -> memref<1x128x64xf32, #tpu.memory_space<vmem>>
      %dma_start3A_358 = tpu.memref_squeeze %dma_start3A_357 : memref<1x128x64xf32, #tpu.memory_space<vmem>> -> memref<128x64xf32, #tpu.memory_space<vmem>>
      tpu.enqueue_dma source(%dma_start3A_358 : memref<128x64xf32, #tpu.memory_space<vmem>>) target(%dma_start3A_354 : memref<128x64xf32, #tpu.memory_space<hbm>>) target_semaphore(%run_scoped3A_346 : memref<!tpu.dma_semaphore, #tpu.memory_space<semaphore_mem>>)
      %dma_wait3A_359 = arith.constant 0 : i32
      %dma_wait3A_360 = arith.constant 0 : i32
      %dma_wait3A_361 = tpu.memref_slice %arg13[%run_scoped3A_276, %dma_wait3A_359, %dma_wait3A_360] : memref<2x128x128xf32, #tpu.memory_space<vmem>> -> memref<1x128x64xf32, #tpu.memory_space<vmem>>
      %dma_wait3A_362 = tpu.memref_squeeze %dma_wait3A_361 : memref<1x128x64xf32, #tpu.memory_space<vmem>> -> memref<128x64xf32, #tpu.memory_space<vmem>>
      %dma_wait3A_363 = arith.constant 0 : i32
      %dma_wait3A_364 = tpu.memref_slice %arg7[%add3A_275, %dma_wait3A_363] : memref<16384x128xf32, #tpu.memory_space<hbm>> -> memref<128x64xf32, #tpu.memory_space<hbm>>
      %dma_wait3A_365 = arith.constant 0 : i32
      %dma_wait3A_366 = tpu.memref_slice %arg7[%add3A_275, %dma_wait3A_365] : memref<16384x128xf32, #tpu.memory_space<hbm>> -> memref<128x64xf32, #tpu.memory_space<hbm>>
      %dma_wait3A_367 = arith.constant 0 : i32
      %dma_wait3A_368 = arith.constant 0 : i32
      %dma_wait3A_369 = tpu.memref_slice %arg13[%run_scoped3A_276, %dma_wait3A_367, %dma_wait3A_368] : memref<2x128x128xf32, #tpu.memory_space<vmem>> -> memref<1x128x64xf32, #tpu.memory_space<vmem>>
      %dma_wait3A_370 = tpu.memref_squeeze %dma_wait3A_369 : memref<1x128x64xf32, #tpu.memory_space<vmem>> -> memref<128x64xf32, #tpu.memory_space<vmem>>
      tpu.wait_dma2 semaphore(%run_scoped3A_346 : memref<!tpu.dma_semaphore, #tpu.memory_space<semaphore_mem>>) src(%dma_wait3A_370 : memref<128x64xf32, #tpu.memory_space<vmem>>) dst(%dma_wait3A_366 : memref<128x64xf32, #tpu.memory_space<hbm>>)
      tpu.yield
    }) : () -> ()
    %run_scoped3A_277 = arith.constant 0 : i32
    "tpu.region"() ({
      %run_scoped3A_346 = tpu.sem_alloc : memref<!tpu.dma_semaphore, #tpu.memory_space<semaphore_mem>>
      %dma_start3A_347 = arith.constant 0 : i32
      %dma_start3A_348 = arith.constant 64 : i32
      %dma_start3A_349 = tpu.memref_slice %arg14[%run_scoped3A_277, %dma_start3A_347, %dma_start3A_348] : memref<2x128x128xf32, #tpu.memory_space<vmem>> -> memref<1x128x64xf32, #tpu.memory_space<vmem>>
      %dma_start3A_350 = tpu.memref_squeeze %dma_start3A_349 : memref<1x128x64xf32, #tpu.memory_space<vmem>> -> memref<128x64xf32, #tpu.memory_space<vmem>>
      %dma_start3A_351 = arith.constant 64 : i32
      %dma_start3A_352 = tpu.memref_slice %arg7[%add3A_275, %dma_start3A_351] : memref<16384x128xf32, #tpu.memory_space<hbm>> -> memref<128x64xf32, #tpu.memory_space<hbm>>
      %dma_start3A_353 = arith.constant 64 : i32
      %dma_start3A_354 = tpu.memref_slice %arg7[%add3A_275, %dma_start3A_353] : memref<16384x128xf32, #tpu.memory_space<hbm>> -> memref<128x64xf32, #tpu.memory_space<hbm>>
      %dma_start3A_355 = arith.constant 0 : i32
      %dma_start3A_356 = arith.constant 64 : i32
      %dma_start3A_357 = tpu.memref_slice %arg14[%run_scoped3A_277, %dma_start3A_355, %dma_start3A_356] : memref<2x128x128xf32, #tpu.memory_space<vmem>> -> memref<1x128x64xf32, #tpu.memory_space<vmem>>
      %dma_start3A_358 = tpu.memref_squeeze %dma_start3A_357 : memref<1x128x64xf32, #tpu.memory_space<vmem>> -> memref<128x64xf32, #tpu.memory_space<vmem>>
      tpu.enqueue_dma source(%dma_start3A_358 : memref<128x64xf32, #tpu.memory_space<vmem>>) target(%dma_start3A_354 : memref<128x64xf32, #tpu.memory_space<hbm>>) target_semaphore(%run_scoped3A_346 : memref<!tpu.dma_semaphore, #tpu.memory_space<semaphore_mem>>)
      %dma_wait3A_359 = arith.constant 0 : i32
      %dma_wait3A_360 = arith.constant 64 : i32
      %dma_wait3A_361 = tpu.memref_slice %arg14[%run_scoped3A_277, %dma_wait3A_359, %dma_wait3A_360] : memref<2x128x128xf32, #tpu.memory_space<vmem>> -> memref<1x128x64xf32, #tpu.memory_space<vmem>>
      %dma_wait3A_362 = tpu.memref_squeeze %dma_wait3A_361 : memref<1x128x64xf32, #tpu.memory_space<vmem>> -> memref<128x64xf32, #tpu.memory_space<vmem>>
      %dma_wait3A_363 = arith.constant 64 : i32
      %dma_wait3A_364 = tpu.memref_slice %arg7[%add3A_275, %dma_wait3A_363] : memref<16384x128xf32, #tpu.memory_space<hbm>> -> memref<128x64xf32, #tpu.memory_space<hbm>>
      %dma_wait3A_365 = arith.constant 64 : i32
      %dma_wait3A_366 = tpu.memref_slice %arg7[%add3A_275, %dma_wait3A_365] : memref<16384x128xf32, #tpu.memory_space<hbm>> -> memref<128x64xf32, #tpu.memory_space<hbm>>
      %dma_wait3A_367 = arith.constant 0 : i32
      %dma_wait3A_368 = arith.constant 64 : i32
      %dma_wait3A_369 = tpu.memref_slice %arg14[%run_scoped3A_277, %dma_wait3A_367, %dma_wait3A_368] : memref<2x128x128xf32, #tpu.memory_space<vmem>> -> memref<1x128x64xf32, #tpu.memory_space<vmem>>
      %dma_wait3A_370 = tpu.memref_squeeze %dma_wait3A_369 : memref<1x128x64xf32, #tpu.memory_space<vmem>> -> memref<128x64xf32, #tpu.memory_space<vmem>>
      tpu.wait_dma2 semaphore(%run_scoped3A_346 : memref<!tpu.dma_semaphore, #tpu.memory_space<semaphore_mem>>) src(%dma_wait3A_370 : memref<128x64xf32, #tpu.memory_space<vmem>>) dst(%dma_wait3A_366 : memref<128x64xf32, #tpu.memory_space<hbm>>)
      tpu.yield
    }) : () -> ()
    %dma_wait3A_278 = arith.constant 3 : i32
    %dma_wait3A_279 = arith.constant 1 : i32
    %dma_wait3A_280 = arith.constant 2 : i32
    %dma_wait3A_281 = arith.constant 0 : i32
    %dma_wait3A_282 = arith.constant 0 : i32
    %dma_wait3A_283 = tpu.memref_slice %arg13[%dma_wait3A_279, %dma_wait3A_281, %dma_wait3A_282] : memref<2x128x128xf32, #tpu.memory_space<vmem>> -> memref<1x128x128xf32, #tpu.memory_space<vmem>>
    %dma_wait3A_284 = tpu.memref_squeeze %dma_wait3A_283 : memref<1x128x128xf32, #tpu.memory_space<vmem>> -> memref<128x128xf32, #tpu.memory_space<vmem>>
    %dma_wait3A_285 = arith.constant 0 : i32
    %dma_wait3A_286 = tpu.memref_slice %arg11[%dma_wait3A_278, %dma_wait3A_285] : memref<4x128xi32, #tpu.memory_space<vmem>> -> memref<1x128xi32, #tpu.memory_space<vmem>>
    %dma_wait3A_287 = tpu.memref_squeeze %dma_wait3A_286 : memref<1x128xi32, #tpu.memory_space<vmem>> -> memref<128xi32, #tpu.memory_space<vmem>>
    %dma_wait3A_288 = arith.constant 0 : i32
    %dma_wait3A_289 = arith.constant 0 : i32
    %dma_wait3A_290 = tpu.memref_slice %arg4[%dma_wait3A_288, %dma_wait3A_289] : memref<100000x128xf32, #tpu.memory_space<hbm>> -> memref<100000x128xf32, #tpu.memory_space<hbm>>
    %dma_wait3A_291 = tpu.memref_slice %arg19[%dma_wait3A_280] : memref<4x!tpu.dma_semaphore, #tpu.memory_space<semaphore_mem>> -> memref<1x!tpu.dma_semaphore, #tpu.memory_space<semaphore_mem>>
    %dma_wait3A_292 = tpu.memref_squeeze %dma_wait3A_291 : memref<1x!tpu.dma_semaphore, #tpu.memory_space<semaphore_mem>> -> memref<!tpu.dma_semaphore, #tpu.memory_space<semaphore_mem>>
    tpu.wait_indirect_dma semaphore(%dma_wait3A_292 : memref<!tpu.dma_semaphore, #tpu.memory_space<semaphore_mem>>) src(%dma_wait3A_290 : memref<100000x128xf32, #tpu.memory_space<hbm>>) dst(%dma_wait3A_284 : memref<128x128xf32, #tpu.memory_space<vmem>>)
    %dma_wait3A_293 = arith.constant 3 : i32
    %dma_wait3A_294 = arith.constant 1 : i32
    %dma_wait3A_295 = arith.constant 3 : i32
    %dma_wait3A_296 = arith.constant 0 : i32
    %dma_wait3A_297 = arith.constant 0 : i32
    %dma_wait3A_298 = tpu.memref_slice %arg14[%dma_wait3A_294, %dma_wait3A_296, %dma_wait3A_297] : memref<2x128x128xf32, #tpu.memory_space<vmem>> -> memref<1x128x128xf32, #tpu.memory_space<vmem>>
    %dma_wait3A_299 = tpu.memref_squeeze %dma_wait3A_298 : memref<1x128x128xf32, #tpu.memory_space<vmem>> -> memref<128x128xf32, #tpu.memory_space<vmem>>
    %dma_wait3A_300 = arith.constant 0 : i32
    %dma_wait3A_301 = tpu.memref_slice %arg12[%dma_wait3A_293, %dma_wait3A_300] : memref<4x128xi32, #tpu.memory_space<vmem>> -> memref<1x128xi32, #tpu.memory_space<vmem>>
    %dma_wait3A_302 = tpu.memref_squeeze %dma_wait3A_301 : memref<1x128xi32, #tpu.memory_space<vmem>> -> memref<128xi32, #tpu.memory_space<vmem>>
    %dma_wait3A_303 = arith.constant 0 : i32
    %dma_wait3A_304 = arith.constant 0 : i32
    %dma_wait3A_305 = tpu.memref_slice %arg4[%dma_wait3A_303, %dma_wait3A_304] : memref<100000x128xf32, #tpu.memory_space<hbm>> -> memref<100000x128xf32, #tpu.memory_space<hbm>>
    %dma_wait3A_306 = tpu.memref_slice %arg19[%dma_wait3A_295] : memref<4x!tpu.dma_semaphore, #tpu.memory_space<semaphore_mem>> -> memref<1x!tpu.dma_semaphore, #tpu.memory_space<semaphore_mem>>
    %dma_wait3A_307 = tpu.memref_squeeze %dma_wait3A_306 : memref<1x!tpu.dma_semaphore, #tpu.memory_space<semaphore_mem>> -> memref<!tpu.dma_semaphore, #tpu.memory_space<semaphore_mem>>
    tpu.wait_indirect_dma semaphore(%dma_wait3A_307 : memref<!tpu.dma_semaphore, #tpu.memory_space<semaphore_mem>>) src(%dma_wait3A_305 : memref<100000x128xf32, #tpu.memory_space<hbm>>) dst(%dma_wait3A_299 : memref<128x128xf32, #tpu.memory_space<vmem>>)
    %add3A_308 = arith.constant 384 : i32
    %add3A_309 = arith.addi %mul3A_2, %add3A_308 : i32
    %run_scoped3A_310 = arith.constant 1 : i32
    "tpu.region"() ({
      %run_scoped3A_346 = tpu.sem_alloc : memref<!tpu.dma_semaphore, #tpu.memory_space<semaphore_mem>>
      %dma_start3A_347 = arith.constant 0 : i32
      %dma_start3A_348 = arith.constant 0 : i32
      %dma_start3A_349 = tpu.memref_slice %arg13[%run_scoped3A_310, %dma_start3A_347, %dma_start3A_348] : memref<2x128x128xf32, #tpu.memory_space<vmem>> -> memref<1x128x64xf32, #tpu.memory_space<vmem>>
      %dma_start3A_350 = tpu.memref_squeeze %dma_start3A_349 : memref<1x128x64xf32, #tpu.memory_space<vmem>> -> memref<128x64xf32, #tpu.memory_space<vmem>>
      %dma_start3A_351 = arith.constant 0 : i32
      %dma_start3A_352 = tpu.memref_slice %arg7[%add3A_309, %dma_start3A_351] : memref<16384x128xf32, #tpu.memory_space<hbm>> -> memref<128x64xf32, #tpu.memory_space<hbm>>
      %dma_start3A_353 = arith.constant 0 : i32
      %dma_start3A_354 = tpu.memref_slice %arg7[%add3A_309, %dma_start3A_353] : memref<16384x128xf32, #tpu.memory_space<hbm>> -> memref<128x64xf32, #tpu.memory_space<hbm>>
      %dma_start3A_355 = arith.constant 0 : i32
      %dma_start3A_356 = arith.constant 0 : i32
      %dma_start3A_357 = tpu.memref_slice %arg13[%run_scoped3A_310, %dma_start3A_355, %dma_start3A_356] : memref<2x128x128xf32, #tpu.memory_space<vmem>> -> memref<1x128x64xf32, #tpu.memory_space<vmem>>
      %dma_start3A_358 = tpu.memref_squeeze %dma_start3A_357 : memref<1x128x64xf32, #tpu.memory_space<vmem>> -> memref<128x64xf32, #tpu.memory_space<vmem>>
      tpu.enqueue_dma source(%dma_start3A_358 : memref<128x64xf32, #tpu.memory_space<vmem>>) target(%dma_start3A_354 : memref<128x64xf32, #tpu.memory_space<hbm>>) target_semaphore(%run_scoped3A_346 : memref<!tpu.dma_semaphore, #tpu.memory_space<semaphore_mem>>)
      %dma_wait3A_359 = arith.constant 0 : i32
      %dma_wait3A_360 = arith.constant 0 : i32
      %dma_wait3A_361 = tpu.memref_slice %arg13[%run_scoped3A_310, %dma_wait3A_359, %dma_wait3A_360] : memref<2x128x128xf32, #tpu.memory_space<vmem>> -> memref<1x128x64xf32, #tpu.memory_space<vmem>>
      %dma_wait3A_362 = tpu.memref_squeeze %dma_wait3A_361 : memref<1x128x64xf32, #tpu.memory_space<vmem>> -> memref<128x64xf32, #tpu.memory_space<vmem>>
      %dma_wait3A_363 = arith.constant 0 : i32
      %dma_wait3A_364 = tpu.memref_slice %arg7[%add3A_309, %dma_wait3A_363] : memref<16384x128xf32, #tpu.memory_space<hbm>> -> memref<128x64xf32, #tpu.memory_space<hbm>>
      %dma_wait3A_365 = arith.constant 0 : i32
      %dma_wait3A_366 = tpu.memref_slice %arg7[%add3A_309, %dma_wait3A_365] : memref<16384x128xf32, #tpu.memory_space<hbm>> -> memref<128x64xf32, #tpu.memory_space<hbm>>
      %dma_wait3A_367 = arith.constant 0 : i32
      %dma_wait3A_368 = arith.constant 0 : i32
      %dma_wait3A_369 = tpu.memref_slice %arg13[%run_scoped3A_310, %dma_wait3A_367, %dma_wait3A_368] : memref<2x128x128xf32, #tpu.memory_space<vmem>> -> memref<1x128x64xf32, #tpu.memory_space<vmem>>
      %dma_wait3A_370 = tpu.memref_squeeze %dma_wait3A_369 : memref<1x128x64xf32, #tpu.memory_space<vmem>> -> memref<128x64xf32, #tpu.memory_space<vmem>>
      tpu.wait_dma2 semaphore(%run_scoped3A_346 : memref<!tpu.dma_semaphore, #tpu.memory_space<semaphore_mem>>) src(%dma_wait3A_370 : memref<128x64xf32, #tpu.memory_space<vmem>>) dst(%dma_wait3A_366 : memref<128x64xf32, #tpu.memory_space<hbm>>)
      tpu.yield
    }) : () -> ()
    %run_scoped3A_311 = arith.constant 1 : i32
    "tpu.region"() ({
      %run_scoped3A_346 = tpu.sem_alloc : memref<!tpu.dma_semaphore, #tpu.memory_space<semaphore_mem>>
      %dma_start3A_347 = arith.constant 0 : i32
      %dma_start3A_348 = arith.constant 64 : i32
      %dma_start3A_349 = tpu.memref_slice %arg14[%run_scoped3A_311, %dma_start3A_347, %dma_start3A_348] : memref<2x128x128xf32, #tpu.memory_space<vmem>> -> memref<1x128x64xf32, #tpu.memory_space<vmem>>
      %dma_start3A_350 = tpu.memref_squeeze %dma_start3A_349 : memref<1x128x64xf32, #tpu.memory_space<vmem>> -> memref<128x64xf32, #tpu.memory_space<vmem>>
      %dma_start3A_351 = arith.constant 64 : i32
      %dma_start3A_352 = tpu.memref_slice %arg7[%add3A_309, %dma_start3A_351] : memref<16384x128xf32, #tpu.memory_space<hbm>> -> memref<128x64xf32, #tpu.memory_space<hbm>>
      %dma_start3A_353 = arith.constant 64 : i32
      %dma_start3A_354 = tpu.memref_slice %arg7[%add3A_309, %dma_start3A_353] : memref<16384x128xf32, #tpu.memory_space<hbm>> -> memref<128x64xf32, #tpu.memory_space<hbm>>
      %dma_start3A_355 = arith.constant 0 : i32
      %dma_start3A_356 = arith.constant 64 : i32
      %dma_start3A_357 = tpu.memref_slice %arg14[%run_scoped3A_311, %dma_start3A_355, %dma_start3A_356] : memref<2x128x128xf32, #tpu.memory_space<vmem>> -> memref<1x128x64xf32, #tpu.memory_space<vmem>>
      %dma_start3A_358 = tpu.memref_squeeze %dma_start3A_357 : memref<1x128x64xf32, #tpu.memory_space<vmem>> -> memref<128x64xf32, #tpu.memory_space<vmem>>
      tpu.enqueue_dma source(%dma_start3A_358 : memref<128x64xf32, #tpu.memory_space<vmem>>) target(%dma_start3A_354 : memref<128x64xf32, #tpu.memory_space<hbm>>) target_semaphore(%run_scoped3A_346 : memref<!tpu.dma_semaphore, #tpu.memory_space<semaphore_mem>>)
      %dma_wait3A_359 = arith.constant 0 : i32
      %dma_wait3A_360 = arith.constant 64 : i32
      %dma_wait3A_361 = tpu.memref_slice %arg14[%run_scoped3A_311, %dma_wait3A_359, %dma_wait3A_360] : memref<2x128x128xf32, #tpu.memory_space<vmem>> -> memref<1x128x64xf32, #tpu.memory_space<vmem>>
      %dma_wait3A_362 = tpu.memref_squeeze %dma_wait3A_361 : memref<1x128x64xf32, #tpu.memory_space<vmem>> -> memref<128x64xf32, #tpu.memory_space<vmem>>
      %dma_wait3A_363 = arith.constant 64 : i32
      %dma_wait3A_364 = tpu.memref_slice %arg7[%add3A_309, %dma_wait3A_363] : memref<16384x128xf32, #tpu.memory_space<hbm>> -> memref<128x64xf32, #tpu.memory_space<hbm>>
      %dma_wait3A_365 = arith.constant 64 : i32
      %dma_wait3A_366 = tpu.memref_slice %arg7[%add3A_309, %dma_wait3A_365] : memref<16384x128xf32, #tpu.memory_space<hbm>> -> memref<128x64xf32, #tpu.memory_space<hbm>>
      %dma_wait3A_367 = arith.constant 0 : i32
      %dma_wait3A_368 = arith.constant 64 : i32
      %dma_wait3A_369 = tpu.memref_slice %arg14[%run_scoped3A_311, %dma_wait3A_367, %dma_wait3A_368] : memref<2x128x128xf32, #tpu.memory_space<vmem>> -> memref<1x128x64xf32, #tpu.memory_space<vmem>>
      %dma_wait3A_370 = tpu.memref_squeeze %dma_wait3A_369 : memref<1x128x64xf32, #tpu.memory_space<vmem>> -> memref<128x64xf32, #tpu.memory_space<vmem>>
      tpu.wait_dma2 semaphore(%run_scoped3A_346 : memref<!tpu.dma_semaphore, #tpu.memory_space<semaphore_mem>>) src(%dma_wait3A_370 : memref<128x64xf32, #tpu.memory_space<vmem>>) dst(%dma_wait3A_366 : memref<128x64xf32, #tpu.memory_space<hbm>>)
      tpu.yield
    }) : () -> ()
    %dma_wait3A_312 = arith.constant 0 : i32
    %dma_wait3A_313 = arith.constant 0 : i32
    %dma_wait3A_314 = tpu.memref_slice %arg15[%dma_wait3A_313] : memref<512xf32, #tpu.memory_space<vmem>> -> memref<128xf32, #tpu.memory_space<vmem>>
    %dma_wait3A_315 = arith.constant 0 : i32
    %dma_wait3A_316 = tpu.memref_slice %arg12[%dma_wait3A_312, %dma_wait3A_315] : memref<4x128xi32, #tpu.memory_space<vmem>> -> memref<1x128xi32, #tpu.memory_space<vmem>>
    %dma_wait3A_317 = tpu.memref_squeeze %dma_wait3A_316 : memref<1x128xi32, #tpu.memory_space<vmem>> -> memref<128xi32, #tpu.memory_space<vmem>>
    %dma_wait3A_318 = arith.constant 0 : i32
    %dma_wait3A_319 = tpu.memref_slice %arg5[%dma_wait3A_318] : memref<100000xf32, #tpu.memory_space<hbm>> -> memref<100000xf32, #tpu.memory_space<hbm>>
    tpu.wait_indirect_dma semaphore(%arg20 : memref<!tpu.dma_semaphore, #tpu.memory_space<semaphore_mem>>) src(%dma_wait3A_319 : memref<100000xf32, #tpu.memory_space<hbm>>) dst(%dma_wait3A_314 : memref<128xf32, #tpu.memory_space<vmem>>)
    %dma_wait3A_320 = arith.constant 1 : i32
    %dma_wait3A_321 = arith.constant 128 : i32
    %dma_wait3A_322 = tpu.memref_slice %arg15[%dma_wait3A_321] : memref<512xf32, #tpu.memory_space<vmem>> -> memref<128xf32, #tpu.memory_space<vmem>>
    %dma_wait3A_323 = arith.constant 0 : i32
    %dma_wait3A_324 = tpu.memref_slice %arg12[%dma_wait3A_320, %dma_wait3A_323] : memref<4x128xi32, #tpu.memory_space<vmem>> -> memref<1x128xi32, #tpu.memory_space<vmem>>
    %dma_wait3A_325 = tpu.memref_squeeze %dma_wait3A_324 : memref<1x128xi32, #tpu.memory_space<vmem>> -> memref<128xi32, #tpu.memory_space<vmem>>
    %dma_wait3A_326 = arith.constant 0 : i32
    %dma_wait3A_327 = tpu.memref_slice %arg5[%dma_wait3A_326] : memref<100000xf32, #tpu.memory_space<hbm>> -> memref<100000xf32, #tpu.memory_space<hbm>>
    tpu.wait_indirect_dma semaphore(%arg20 : memref<!tpu.dma_semaphore, #tpu.memory_space<semaphore_mem>>) src(%dma_wait3A_327 : memref<100000xf32, #tpu.memory_space<hbm>>) dst(%dma_wait3A_322 : memref<128xf32, #tpu.memory_space<vmem>>)
    %dma_wait3A_328 = arith.constant 2 : i32
    %dma_wait3A_329 = arith.constant 256 : i32
    %dma_wait3A_330 = tpu.memref_slice %arg15[%dma_wait3A_329] : memref<512xf32, #tpu.memory_space<vmem>> -> memref<128xf32, #tpu.memory_space<vmem>>
    %dma_wait3A_331 = arith.constant 0 : i32
    %dma_wait3A_332 = tpu.memref_slice %arg12[%dma_wait3A_328, %dma_wait3A_331] : memref<4x128xi32, #tpu.memory_space<vmem>> -> memref<1x128xi32, #tpu.memory_space<vmem>>
    %dma_wait3A_333 = tpu.memref_squeeze %dma_wait3A_332 : memref<1x128xi32, #tpu.memory_space<vmem>> -> memref<128xi32, #tpu.memory_space<vmem>>
    %dma_wait3A_334 = arith.constant 0 : i32
    %dma_wait3A_335 = tpu.memref_slice %arg5[%dma_wait3A_334] : memref<100000xf32, #tpu.memory_space<hbm>> -> memref<100000xf32, #tpu.memory_space<hbm>>
    tpu.wait_indirect_dma semaphore(%arg20 : memref<!tpu.dma_semaphore, #tpu.memory_space<semaphore_mem>>) src(%dma_wait3A_335 : memref<100000xf32, #tpu.memory_space<hbm>>) dst(%dma_wait3A_330 : memref<128xf32, #tpu.memory_space<vmem>>)
    %dma_wait3A_336 = arith.constant 3 : i32
    %dma_wait3A_337 = arith.constant 384 : i32
    %dma_wait3A_338 = tpu.memref_slice %arg15[%dma_wait3A_337] : memref<512xf32, #tpu.memory_space<vmem>> -> memref<128xf32, #tpu.memory_space<vmem>>
    %dma_wait3A_339 = arith.constant 0 : i32
    %dma_wait3A_340 = tpu.memref_slice %arg12[%dma_wait3A_336, %dma_wait3A_339] : memref<4x128xi32, #tpu.memory_space<vmem>> -> memref<1x128xi32, #tpu.memory_space<vmem>>
    %dma_wait3A_341 = tpu.memref_squeeze %dma_wait3A_340 : memref<1x128xi32, #tpu.memory_space<vmem>> -> memref<128xi32, #tpu.memory_space<vmem>>
    %dma_wait3A_342 = arith.constant 0 : i32
    %dma_wait3A_343 = tpu.memref_slice %arg5[%dma_wait3A_342] : memref<100000xf32, #tpu.memory_space<hbm>> -> memref<100000xf32, #tpu.memory_space<hbm>>
    tpu.wait_indirect_dma semaphore(%arg20 : memref<!tpu.dma_semaphore, #tpu.memory_space<semaphore_mem>>) src(%dma_wait3A_343 : memref<100000xf32, #tpu.memory_space<hbm>>) dst(%dma_wait3A_338 : memref<128xf32, #tpu.memory_space<vmem>>)
    "tpu.region"() ({
      %run_scoped3A_346 = tpu.sem_alloc : memref<!tpu.dma_semaphore, #tpu.memory_space<semaphore_mem>>
      %dma_start3A_347 = tpu.memref_slice %arg8[%mul3A_2] : memref<16384xf32, #tpu.memory_space<hbm>> -> memref<512xf32, #tpu.memory_space<hbm>>
      %dma_start3A_348 = tpu.memref_slice %arg8[%mul3A_2] : memref<16384xf32, #tpu.memory_space<hbm>> -> memref<512xf32, #tpu.memory_space<hbm>>
      tpu.enqueue_dma source(%arg15 : memref<512xf32, #tpu.memory_space<vmem>>) target(%dma_start3A_348 : memref<512xf32, #tpu.memory_space<hbm>>) target_semaphore(%run_scoped3A_346 : memref<!tpu.dma_semaphore, #tpu.memory_space<semaphore_mem>>)
      %dma_wait3A_349 = tpu.memref_slice %arg8[%mul3A_2] : memref<16384xf32, #tpu.memory_space<hbm>> -> memref<512xf32, #tpu.memory_space<hbm>>
      %dma_wait3A_350 = tpu.memref_slice %arg8[%mul3A_2] : memref<16384xf32, #tpu.memory_space<hbm>> -> memref<512xf32, #tpu.memory_space<hbm>>
      tpu.wait_dma2 semaphore(%run_scoped3A_346 : memref<!tpu.dma_semaphore, #tpu.memory_space<semaphore_mem>>) src(%arg15 : memref<512xf32, #tpu.memory_space<vmem>>) dst(%dma_wait3A_350 : memref<512xf32, #tpu.memory_space<hbm>>)
      tpu.yield
    }) : () -> ()
    %eq3A = arith.constant 0 : i32
    %eq3A_344 = arith.cmpi eq, %add3A, %eq3A : i32
    %convert_element_type3A = arith.extui %eq3A_344 : i1 to i32
    %cond3A = arith.constant 0 : i32
    %cond3A_345 = arith.cmpi ne, %convert_element_type3A, %cond3A : i32
    scf.if %cond3A_345 {
      "tpu.region"() ({
        %run_scoped3A_356 = tpu.sem_alloc : memref<!tpu.dma_semaphore, #tpu.memory_space<semaphore_mem>>
        tpu.enqueue_dma source(%arg6 : memref<64xi32, #tpu.memory_space<hbm>>) target(%arg16 : memref<64xi32, #tpu.memory_space<vmem>>) target_semaphore(%run_scoped3A_356 : memref<!tpu.dma_semaphore, #tpu.memory_space<semaphore_mem>>)
        tpu.wait_dma2 semaphore(%run_scoped3A_356 : memref<!tpu.dma_semaphore, #tpu.memory_space<semaphore_mem>>) src(%arg6 : memref<64xi32, #tpu.memory_space<hbm>>) dst(%arg16 : memref<64xi32, #tpu.memory_space<vmem>>)
        tpu.yield
      }) : () -> ()
      %dma_start3A_346 = arith.constant 0 : i32
      %dma_start3A_347 = arith.constant 0 : i32
      %dma_start3A_348 = tpu.memref_slice %arg4[%dma_start3A_346, %dma_start3A_347] : memref<100000x128xf32, #tpu.memory_space<hbm>> -> memref<100000x128xf32, #tpu.memory_space<hbm>>
      tpu.enqueue_indirect_dma source(%dma_start3A_348 : memref<100000x128xf32, #tpu.memory_space<hbm>>) target(%arg17 : memref<64x128xf32, #tpu.memory_space<vmem>>) offsets(%arg16 : memref<64xi32, #tpu.memory_space<vmem>>) semaphore(%arg20 : memref<!tpu.dma_semaphore, #tpu.memory_space<semaphore_mem>>)
      %dma_wait3A_349 = arith.constant 0 : i32
      %dma_wait3A_350 = arith.constant 0 : i32
      %dma_wait3A_351 = tpu.memref_slice %arg4[%dma_wait3A_349, %dma_wait3A_350] : memref<100000x128xf32, #tpu.memory_space<hbm>> -> memref<100000x128xf32, #tpu.memory_space<hbm>>
      tpu.wait_indirect_dma semaphore(%arg20 : memref<!tpu.dma_semaphore, #tpu.memory_space<semaphore_mem>>) src(%dma_wait3A_351 : memref<100000x128xf32, #tpu.memory_space<hbm>>) dst(%arg17 : memref<64x128xf32, #tpu.memory_space<vmem>>)
      %dma_start3A_352 = arith.constant 0 : i32
      %dma_start3A_353 = tpu.memref_slice %arg5[%dma_start3A_352] : memref<100000xf32, #tpu.memory_space<hbm>> -> memref<100000xf32, #tpu.memory_space<hbm>>
      tpu.enqueue_indirect_dma source(%dma_start3A_353 : memref<100000xf32, #tpu.memory_space<hbm>>) target(%arg18 : memref<64xf32, #tpu.memory_space<vmem>>) offsets(%arg16 : memref<64xi32, #tpu.memory_space<vmem>>) semaphore(%arg20 : memref<!tpu.dma_semaphore, #tpu.memory_space<semaphore_mem>>)
      %dma_wait3A_354 = arith.constant 0 : i32
      %dma_wait3A_355 = tpu.memref_slice %arg5[%dma_wait3A_354] : memref<100000xf32, #tpu.memory_space<hbm>> -> memref<100000xf32, #tpu.memory_space<hbm>>
      tpu.wait_indirect_dma semaphore(%arg20 : memref<!tpu.dma_semaphore, #tpu.memory_space<semaphore_mem>>) src(%dma_wait3A_355 : memref<100000xf32, #tpu.memory_space<hbm>>) dst(%arg18 : memref<64xf32, #tpu.memory_space<vmem>>)
      "tpu.region"() ({
        %run_scoped3A_356 = tpu.sem_alloc : memref<!tpu.dma_semaphore, #tpu.memory_space<semaphore_mem>>
        tpu.enqueue_dma source(%arg17 : memref<64x128xf32, #tpu.memory_space<vmem>>) target(%arg9 : memref<64x128xf32, #tpu.memory_space<hbm>>) target_semaphore(%run_scoped3A_356 : memref<!tpu.dma_semaphore, #tpu.memory_space<semaphore_mem>>)
        tpu.wait_dma2 semaphore(%run_scoped3A_356 : memref<!tpu.dma_semaphore, #tpu.memory_space<semaphore_mem>>) src(%arg17 : memref<64x128xf32, #tpu.memory_space<vmem>>) dst(%arg9 : memref<64x128xf32, #tpu.memory_space<hbm>>)
        tpu.yield
      }) : () -> ()
      "tpu.region"() ({
        %run_scoped3A_356 = tpu.sem_alloc : memref<!tpu.dma_semaphore, #tpu.memory_space<semaphore_mem>>
        tpu.enqueue_dma source(%arg18 : memref<64xf32, #tpu.memory_space<vmem>>) target(%arg10 : memref<64xf32, #tpu.memory_space<hbm>>) target_semaphore(%run_scoped3A_356 : memref<!tpu.dma_semaphore, #tpu.memory_space<semaphore_mem>>)
        tpu.wait_dma2 semaphore(%run_scoped3A_356 : memref<!tpu.dma_semaphore, #tpu.memory_space<semaphore_mem>>) src(%arg18 : memref<64xf32, #tpu.memory_space<vmem>>) dst(%arg10 : memref<64xf32, #tpu.memory_space<hbm>>)
        tpu.yield
      }) : () -> ()
    } else {
    }
    return
  }
}

module attributes {stable_mosaic.version = 14 : i64} {
  func.func @_tc_loss_body(%arg0: i32, %arg1: memref<1x4096xi32, #tpu.memory_space<vmem>>, %arg2: memref<4096x128xf32, #tpu.memory_space<vmem>>, %arg3: memref<1x4096xf32, #tpu.memory_space<vmem>>, %arg4: memref<64x128xf32, #tpu.memory_space<vmem>>, %arg5: memref<1x64xf32, #tpu.memory_space<vmem>>, %arg6: memref<1x64xi32, #tpu.memory_space<vmem>>, %arg7: memref<1x1xf32, #tpu.memory_space<vmem>>) attributes {dimension_semantics = [#tpu.dimension_semantics<arbitrary>], iteration_bounds = array<i64: 4>, scalar_prefetch = 0 : i64, scratch_operands = 0 : i64, tpu.core_type = #tpu.core_type<tc>, window_params = [{transform_indices = @transform_0, window_bounds = array<i64: 1, 4096>}, {transform_indices = @transform_1, window_bounds = array<i64: 4096, 128>}, {transform_indices = @transform_2, window_bounds = array<i64: 1, 4096>}, {pipeline_mode = #tpu.pipeline_mode<synchronous>, transform_indices = @transform_3, window_bounds = array<i64: 64, 128>}, {pipeline_mode = #tpu.pipeline_mode<synchronous>, transform_indices = @transform_4, window_bounds = array<i64: 1, 64>}, {pipeline_mode = #tpu.pipeline_mode<synchronous>, transform_indices = @transform_5, window_bounds = array<i64: 1, 64>}, {pipeline_mode = #tpu.pipeline_mode<synchronous>, transform_indices = @transform_6, window_bounds = array<i64: 1, 1>}]} {
    %get3A = arith.constant 0 : index
    %get3A_0 = arith.constant 0 : index
    %get3A_1 = vector.load %arg2[%get3A, %get3A_0] : memref<4096x128xf32, #tpu.memory_space<vmem>>, vector<4096x64xf32>
    %get3A_2 = arith.constant 0 : index
    %get3A_3 = arith.constant 64 : index
    %get3A_4 = vector.load %arg2[%get3A_2, %get3A_3] : memref<4096x128xf32, #tpu.memory_space<vmem>>, vector<4096x64xf32>
    %get3A_5 = arith.constant 0 : index
    %get3A_6 = arith.constant 0 : index
    %get3A_7 = vector.load %arg3[%get3A_5, %get3A_6] : memref<1x4096xf32, #tpu.memory_space<vmem>>, vector<1x4096xf32>
    %get3A_8 = arith.constant 0 : index
    %get3A_9 = arith.constant 0 : index
    %get3A_10 = vector.load %arg1[%get3A_8, %get3A_9] : memref<1x4096xi32, #tpu.memory_space<vmem>>, vector<1x4096xi32>
    %convert_element_type3A = arith.sitofp %get3A_10 : vector<1x4096xi32> to vector<1x4096xf32>
    %add3A = arith.constant 2.000000e+00 : f32
    %add3A_11 = vector.broadcast %add3A : f32 to vector<1x4096xf32>
    %add3A_12 = arith.addf %convert_element_type3A, %add3A_11 : vector<1x4096xf32>
    %log3A = math.log %add3A_12 : vector<1x4096xf32>
    %add3A_13 = arith.constant 1.000000e+00 : f32
    %add3A_14 = vector.broadcast %add3A_13 : f32 to vector<1x4096xf32>
    %add3A_15 = arith.addf %convert_element_type3A, %add3A_14 : vector<1x4096xf32>
    %log3A_16 = math.log %add3A_15 : vector<1x4096xf32>
    %sub3A = arith.subf %log3A, %log3A_16 : vector<1x4096xf32>
    %div3A = arith.constant 11.5129356 : f32
    %div3A_17 = vector.broadcast %div3A : f32 to vector<1x4096xf32>
    %div3A_18 = arith.divf %sub3A, %div3A_17 : vector<1x4096xf32>
    %mul3A = arith.constant 6.400000e+01 : f32
    %mul3A_19 = vector.broadcast %mul3A : f32 to vector<1x4096xf32>
    %mul3A_20 = arith.mulf %div3A_18, %mul3A_19 : vector<1x4096xf32>
    %mul3A_21 = arith.mulf %get3A_1, %get3A_4 : vector<4096x64xf32>
    %reduce_sum3A = arith.constant dense<0.000000e+00> : vector<4096xf32>
    %reduce_sum3A_22 = vector.multi_reduction <add>, %mul3A_21, %reduce_sum3A [1] : vector<4096x64xf32> to vector<4096xf32>
    %broadcast_in_dim3A = vector.shape_cast %reduce_sum3A_22 : vector<4096xf32> to vector<4096x1xf32>
    %transpose3A = tpu.transpose %broadcast_in_dim3A, [1, 0] : vector<4096x1xf32> -> vector<1x4096xf32>
    %add3A_23 = arith.addf %transpose3A, %get3A_7 : vector<1x4096xf32>
    %log3A_24 = math.log %mul3A_20 : vector<1x4096xf32>
    %sub3A_25 = arith.subf %add3A_23, %log3A_24 : vector<1x4096xf32>
    %max3A = arith.constant 0.000000e+00 : f32
    %max3A_26 = vector.broadcast %max3A : f32 to vector<1x4096xf32>
    %max3A_27 = arith.maximumf %sub3A_25, %max3A_26 : vector<1x4096xf32>
    %sub3A_28 = arith.subf %max3A_27, %sub3A_25 : vector<1x4096xf32>
    %abs3A = math.absf %sub3A_25 : vector<1x4096xf32>
    %neg3A = arith.constant 0.000000e+00 : f32
    %neg3A_29 = vector.broadcast %neg3A : f32 to vector<1x4096xf32>
    %neg3A_30 = arith.subf %neg3A_29, %abs3A : vector<1x4096xf32>
    %exp3A = math.exp %neg3A_30 : vector<1x4096xf32>
    %log1p3A = math.log1p %exp3A : vector<1x4096xf32>
    %add3A_31 = arith.addf %sub3A_28, %log1p3A : vector<1x4096xf32>
    %get3A_32 = arith.constant 0 : index
    %get3A_33 = arith.constant 0 : index
    %get3A_34 = vector.load %arg6[%get3A_32, %get3A_33] : memref<1x64xi32, #tpu.memory_space<vmem>>, vector<1x64xi32>
    %convert_element_type3A_35 = arith.sitofp %get3A_34 : vector<1x64xi32> to vector<1x64xf32>
    %add3A_36 = arith.constant 2.000000e+00 : f32
    %add3A_37 = vector.broadcast %add3A_36 : f32 to vector<1x64xf32>
    %add3A_38 = arith.addf %convert_element_type3A_35, %add3A_37 : vector<1x64xf32>
    %log3A_39 = math.log %add3A_38 : vector<1x64xf32>
    %add3A_40 = arith.constant 1.000000e+00 : f32
    %add3A_41 = vector.broadcast %add3A_40 : f32 to vector<1x64xf32>
    %add3A_42 = arith.addf %convert_element_type3A_35, %add3A_41 : vector<1x64xf32>
    %log3A_43 = math.log %add3A_42 : vector<1x64xf32>
    %sub3A_44 = arith.subf %log3A_39, %log3A_43 : vector<1x64xf32>
    %div3A_45 = arith.constant 11.5129356 : f32
    %div3A_46 = vector.broadcast %div3A_45 : f32 to vector<1x64xf32>
    %div3A_47 = arith.divf %sub3A_44, %div3A_46 : vector<1x64xf32>
    %mul3A_48 = arith.constant 6.400000e+01 : f32
    %mul3A_49 = vector.broadcast %mul3A_48 : f32 to vector<1x64xf32>
    %mul3A_50 = arith.mulf %div3A_47, %mul3A_49 : vector<1x64xf32>
    %get3A_51 = arith.constant 0 : index
    %get3A_52 = arith.constant 64 : index
    %get3A_53 = vector.load %arg4[%get3A_51, %get3A_52] : memref<64x128xf32, #tpu.memory_space<vmem>>, vector<64x64xf32>
    %dot_general3A = arith.constant dense<0.000000e+00> : vector<4096x64xf32>
    %dot_general3A_54 = tpu.matmul %get3A_1, %get3A_53, %dot_general3A {dimension_numbers = #tpu.dot_dimension_numbers<[1], [1], [0], [0], [0, 0, 1, 0], [], []>, transpose_lhs_hint = false} : vector<4096x64xf32>, vector<64x64xf32>, vector<4096x64xf32> -> vector<4096x64xf32>
    %get3A_55 = arith.constant 0 : index
    %get3A_56 = arith.constant 0 : index
    %get3A_57 = vector.load %arg5[%get3A_55, %get3A_56] : memref<1x64xf32, #tpu.memory_space<vmem>>, vector<1x64xf32>
    %add3A_58 = vector.broadcast %get3A_57 : vector<1x64xf32> to vector<4096x64xf32>
    %add3A_59 = arith.addf %dot_general3A_54, %add3A_58 : vector<4096x64xf32>
    %log3A_60 = math.log %mul3A_50 : vector<1x64xf32>
    %sub3A_61 = vector.broadcast %log3A_60 : vector<1x64xf32> to vector<4096x64xf32>
    %sub3A_62 = arith.subf %add3A_59, %sub3A_61 : vector<4096x64xf32>
    %max3A_63 = arith.constant 0.000000e+00 : f32
    %max3A_64 = vector.broadcast %max3A_63 : f32 to vector<4096x64xf32>
    %max3A_65 = arith.maximumf %sub3A_62, %max3A_64 : vector<4096x64xf32>
    %abs3A_66 = math.absf %sub3A_62 : vector<4096x64xf32>
    %neg3A_67 = arith.constant 0.000000e+00 : f32
    %neg3A_68 = vector.broadcast %neg3A_67 : f32 to vector<4096x64xf32>
    %neg3A_69 = arith.subf %neg3A_68, %abs3A_66 : vector<4096x64xf32>
    %exp3A_70 = math.exp %neg3A_69 : vector<4096x64xf32>
    %log1p3A_71 = math.log1p %exp3A_70 : vector<4096x64xf32>
    %add3A_72 = arith.addf %max3A_65, %log1p3A_71 : vector<4096x64xf32>
    %reduce_sum3A_73 = vector.shape_cast %add3A_72 : vector<4096x64xf32> to vector<1x4096x64xf32>
    %reduce_sum3A_74 = arith.constant dense<0.000000e+00> : vector<1xf32>
    %reduce_sum3A_75 = vector.multi_reduction <add>, %reduce_sum3A_73, %reduce_sum3A_74 [1, 2] : vector<1x4096x64xf32> to vector<1xf32>
    %reduce_sum3A_76 = vector.shape_cast %reduce_sum3A_75 : vector<1xf32> to vector<1x1x1xf32>
    %reduce_sum3A_77 = vector.extract %reduce_sum3A_76[0, 0, 0] : f32 from vector<1x1x1xf32>
    %reduce_sum3A_78 = vector.shape_cast %add3A_31 : vector<1x4096xf32> to vector<1x1x4096xf32>
    %reduce_sum3A_79 = arith.constant dense<0.000000e+00> : vector<1xf32>
    %reduce_sum3A_80 = vector.multi_reduction <add>, %reduce_sum3A_78, %reduce_sum3A_79 [1, 2] : vector<1x1x4096xf32> to vector<1xf32>
    %reduce_sum3A_81 = vector.shape_cast %reduce_sum3A_80 : vector<1xf32> to vector<1x1x1xf32>
    %reduce_sum3A_82 = vector.extract %reduce_sum3A_81[0, 0, 0] : f32 from vector<1x1x1xf32>
    %add3A_83 = arith.addf %reduce_sum3A_77, %reduce_sum3A_82 : f32
    %broadcast_in_dim3A_84 = vector.broadcast %add3A_83 : f32 to vector<1x1xf32>
    %eq3A = arith.constant 0 : i32
    %eq3A_85 = arith.cmpi eq, %arg0, %eq3A : i32
    %convert_element_type3A_86 = arith.extui %eq3A_85 : i1 to i32
    %cond3A = arith.constant 0 : i32
    %cond3A_87 = arith.cmpi ne, %convert_element_type3A_86, %cond3A : i32
    scf.if %cond3A_87 {
      %broadcast_in_dim3A_99 = arith.constant 0.000000e+00 : f32
      %broadcast_in_dim3A_100 = vector.broadcast %broadcast_in_dim3A_99 : f32 to vector<1x1xf32>
      %swap3A_101 = arith.constant 0 : index
      %swap3A_102 = arith.constant 0 : index
      %swap3A_103 = vector.load %arg7[%swap3A_101, %swap3A_102] : memref<1x1xf32, #tpu.memory_space<vmem>>, vector<1x1xf32>
      tpu.vector_store %arg7[%swap3A_101, %swap3A_102], %broadcast_in_dim3A_100 {strides = array<i32>} : memref<1x1xf32, #tpu.memory_space<vmem>>, vector<1x1xf32>,
    } else {
    }
    %get3A_88 = arith.constant 0 : index
    %get3A_89 = arith.constant 0 : index
    %get3A_90 = vector.load %arg7[%get3A_88, %get3A_89] : memref<1x1xf32, #tpu.memory_space<vmem>>, vector<1x1xf32>
    %add3A_91 = arith.addf %get3A_90, %broadcast_in_dim3A_84 : vector<1x1xf32>
    %swap3A = arith.constant 0 : index
    %swap3A_92 = arith.constant 0 : index
    %swap3A_93 = vector.load %arg7[%swap3A, %swap3A_92] : memref<1x1xf32, #tpu.memory_space<vmem>>, vector<1x1xf32>
    tpu.vector_store %arg7[%swap3A, %swap3A_92], %add3A_91 {strides = array<i32>} : memref<1x1xf32, #tpu.memory_space<vmem>>, vector<1x1xf32>,
    %eq3A_94 = arith.constant 3 : i32
    %eq3A_95 = arith.cmpi eq, %arg0, %eq3A_94 : i32
    %convert_element_type3A_96 = arith.extui %eq3A_95 : i1 to i32
    %cond3A_97 = arith.constant 0 : i32
    %cond3A_98 = arith.cmpi ne, %convert_element_type3A_96, %cond3A_97 : i32
    scf.if %cond3A_98 {
      %get3A_99 = arith.constant 0 : index
      %get3A_100 = arith.constant 0 : index
      %get3A_101 = vector.load %arg7[%get3A_99, %get3A_100] : memref<1x1xf32, #tpu.memory_space<vmem>>, vector<1x1xf32>
      %mul3A_102 = arith.constant 6.10351563E-5 : f32
      %mul3A_103 = vector.broadcast %mul3A_102 : f32 to vector<1x1xf32>
      %mul3A_104 = arith.mulf %get3A_101, %mul3A_103 : vector<1x1xf32>
      %swap3A_105 = arith.constant 0 : index
      %swap3A_106 = arith.constant 0 : index
      %swap3A_107 = vector.load %arg7[%swap3A_105, %swap3A_106] : memref<1x1xf32, #tpu.memory_space<vmem>>, vector<1x1xf32>
      tpu.vector_store %arg7[%swap3A_105, %swap3A_106], %mul3A_104 {strides = array<i32>} : memref<1x1xf32, #tpu.memory_space<vmem>>, vector<1x1xf32>,
    } else {
    }
    return
  }
  func.func @transform_0(%arg0: i32) -> (i32, i32) {
    %c0_i32 = arith.constant 0 : i32
    %c0_i32_0 = arith.constant 0 : i32
    return %c0_i32, %arg0 : i32, i32
  }
  func.func @transform_1(%arg0: i32) -> (i32, i32) {
    %c0_i32 = arith.constant 0 : i32
    %c0_i32_0 = arith.constant 0 : i32
    return %arg0, %c0_i32 : i32, i32
  }
  func.func @transform_2(%arg0: i32) -> (i32, i32) {
    %c0_i32 = arith.constant 0 : i32
    %c0_i32_0 = arith.constant 0 : i32
    return %c0_i32, %arg0 : i32, i32
  }
  func.func @transform_3(%arg0: i32) -> (i32, i32) {
    %c0_i32 = arith.constant 0 : i32
    %c0_i32_0 = arith.constant 0 : i32
    %c0_i32_1 = arith.constant 0 : i32
    return %c0_i32, %c0_i32_0 : i32, i32
  }
  func.func @transform_4(%arg0: i32) -> (i32, i32) {
    %c0_i32 = arith.constant 0 : i32
    %c0_i32_0 = arith.constant 0 : i32
    %c0_i32_1 = arith.constant 0 : i32
    return %c0_i32, %c0_i32_0 : i32, i32
  }
  func.func @transform_5(%arg0: i32) -> (i32, i32) {
    %c0_i32 = arith.constant 0 : i32
    %c0_i32_0 = arith.constant 0 : i32
    %c0_i32_1 = arith.constant 0 : i32
    return %c0_i32, %c0_i32_0 : i32, i32
  }
  func.func @transform_6(%arg0: i32) -> (i32, i32) {
    %c0_i32 = arith.constant 0 : i32
    %c0_i32_0 = arith.constant 0 : i32
    %c0_i32_1 = arith.constant 0 : i32
    return %c0_i32, %c0_i32_0 : i32, i32
  }
}

module attributes {stable_mosaic.version = 14 : i64} {
  func.func @_prep_body(%arg0: i32, %arg1: memref<64x8192xf32, #tpu.memory_space<vmem>>, %arg2: memref<64x8192xf32, #tpu.memory_space<vmem>>, %arg3: memref<8192x128xf32, #tpu.memory_space<vmem>>) attributes {dimension_semantics = [#tpu.dimension_semantics<arbitrary>], iteration_bounds = array<i64: 13>, scalar_prefetch = 0 : i64, scratch_operands = 0 : i64, tpu.core_type = #tpu.core_type<tc>, window_params = [{transform_indices = @transform_0, window_bounds = array<i64: 64, 8192>}, {transform_indices = @transform_1, window_bounds = array<i64: 64, 8192>}, {transform_indices = @transform_2, window_bounds = array<i64: 8192, 128>}]} {
    %get3A = arith.constant 0 : index
    %get3A_0 = arith.constant 0 : index
    %get3A_1 = vector.load %arg1[%get3A, %get3A_0] : memref<64x8192xf32, #tpu.memory_space<vmem>>, vector<64x8192xf32>
    %transpose3A = tpu.transpose %get3A_1, [1, 0] : vector<64x8192xf32> -> vector<8192x64xf32>
    %get3A_2 = arith.constant 0 : index
    %get3A_3 = arith.constant 0 : index
    %get3A_4 = vector.load %arg2[%get3A_2, %get3A_3] : memref<64x8192xf32, #tpu.memory_space<vmem>>, vector<64x8192xf32>
    %transpose3A_5 = tpu.transpose %get3A_4, [1, 0] : vector<64x8192xf32> -> vector<8192x64xf32>
    %concatenate3A = tpu.concatenate %transpose3A, %transpose3A_5 in 1 : vector<8192x64xf32>, vector<8192x64xf32> -> vector<8192x128xf32>
    %swap3A = arith.constant 0 : index
    %swap3A_6 = arith.constant 0 : index
    %swap3A_7 = vector.load %arg3[%swap3A, %swap3A_6] : memref<8192x128xf32, #tpu.memory_space<vmem>>, vector<8192x128xf32>
    tpu.vector_store %arg3[%swap3A, %swap3A_6], %concatenate3A {strides = array<i32>} : memref<8192x128xf32, #tpu.memory_space<vmem>>, vector<8192x128xf32>,
    return
  }
  func.func @transform_0(%arg0: i32) -> (i32, i32) {
    %c0_i32 = arith.constant 0 : i32
    %c0_i32_0 = arith.constant 0 : i32
    return %c0_i32, %arg0 : i32, i32
  }
  func.func @transform_1(%arg0: i32) -> (i32, i32) {
    %c0_i32 = arith.constant 0 : i32
    %c0_i32_0 = arith.constant 0 : i32
    return %c0_i32, %arg0 : i32, i32
  }
  func.func @transform_2(%arg0: i32) -> (i32, i32) {
    %c0_i32 = arith.constant 0 : i32
    %c0_i32_0 = arith.constant 0 : i32
    return %arg0, %c0_i32 : i32, i32
  }
}

</mosaic_0001>

<sc_bundles>
// kernel: kernel.5.cloned.1.call-start
scs
__scs_entry_jumppad:
0x0: {  	(pc) =	sbr.rel $0x88, $3  }
0x1: {  	(tag) =	ssettag $0x0;
	lr =	simm.s32 $0x1  }
0x2: {  	[smem:$0x3F9B] =	sst lr;
	_ =	strace $0xD0000000  }
0x3: {  	_ = 	snop  }
0x4: {  	_ = 	snop  }
0x5: {  	_ = 	snop  }
0x6: {  	_ = 	snop  }
0x7: {  	_ = 	snop  }
__scs_overlays_trampoline_lowered:
0x8: {  	[smem:$0x3FAA] =	sst s0  }
0x9: {  	[smem:$0x3FAB] =	sst s1  }
0xa: {  	[smem:$0x3FAC] =	sst s2  }
0xb: {  	[smem:$0x3FAD] =	sst s3  }
0xc: {  	[smem:$0x3FAE] =	sst s4  }
0xd: {  	[smem:$0x3FAF] =	sst s5  }
0xe: {  	[smem:$0x3FB0] =	sst s6  }
0xf: {  	[smem:$0x3FB1] =	sst s7  }
0x10: {  	[smem:$0x3FB2] =	sst s8  }
0x11: {  	[smem:$0x3FB3] =	sst s9;
	s0 =	simm.s32 @!p0 $0x0  }
0x12: {  	s1 =	sld [smem:$0x3F99];
	s0 =	simm.s32 @p0 $0x1  }
0x13: {  	[smem:$0x3FB4] =	sst s0;
	s0 =	simm.s32 @!p1 $0x0  }
0x14: {  	s2 =	sld [smem:$0x3F98];
	s0 =	simm.s32 @p1 $0x1  }
0x15: {  	[smem:$0x3FB5] =	sst s0;
	s0 =	simm.s32 @!p2 $0x0  }
0x16: {  	s3 =	sld [smem:$0x3FDB];
	s0 =	simm.s32 @p2 $0x1  }
0x17: {  	s4 =	simm.s32 $0x1BF5;
	[smem:$0x3FB7] =	sst s0  }
0x18: {  	s0 =	sld [smem:$0x3F9A];
	_ =	swait.ge [sflag:s4], $0x0  }
0x19: {  	s7 =	sld [smem:$0x3F9B]  }
0x1a: {  	s8 =	sadd.s32 $0xFFFFE003, lr  }
0x1b: {  	s9 =	sadd.s32 $0xFFFFFEF7, lr;
	s5 =	simm.s32 $0xFFFFFFFF;
	p2 =	slt.u32 s8, $0xFFFFF086  }
0x1c: {  	p1 =	slt.u32 s9, $0xF7A;
	s5 =	simm.s32 @!p2 $0x0  }
0x1d: {  	s5 =	simm.s32 @p1 $0x1;
	p0 =	seq.s32 s7, s2  }
0x1e: {  	s7 =	smul.u32 @!p0 $0xF7A, s2;
	p2 =	seq.s32 @!p0 s5, $0x0  }
0x1f: {  	s9 =	smul.u32 $0xF7A, s1;
	s8 =	simm.s32 @!p0 $0x1BF5;
	p2 =	por !p2, p0  }
0x20: {  	[sflag:s8] =	ssyncset.s32 @!p0 $0xFFFFF086;
	s6 =	sadd.s32 @!p0 s3, s7;
	s7 =	simm.s32 @!p0 $0x108  }
0x21: {  	s3 =	sadd.s32 s3, s9;
	s6 =	sadd.s32 @!p0 $0x88, s6;
	s7 =	simm.s32 @p2 $0x1082  }
0x22: {  	[simem:s7], [sflag:s8] =	dma.local @!p0 [hbm:s6], $0xF7A  }
0x23: {  	s9 =	sor.u32 $0xD0000000, s2;
	s6 =	simm.s32 $0x108;
	_ =	swait.ge @!p0 [sflag:s8], $0x0  }
0x24: {  	s3 =	sadd.s32 $0x88, s3;
	s6 =	simm.s32 @!p1 $0x1082;
	[sflag:s4] =	ssyncset.s32 $0xFFFFF086  }
0x25: {  	[simem:s6], [sflag:s4] =	dma.local [hbm:s3], $0xF7A  }
0x26: {  	[smem:$0x3F9B] =	sst s1;
	(tag) =	ssettag s2;
	_ =	strace s9  }
0x27: {  	s1 =	sld [smem:$0x3FAB]  }
0x28: {  	s2 =	sld [smem:$0x3FAC]  }
0x29: {  	s4 =	sld [smem:$0x3FAE]  }
0x2a: {  	p0 =	seq.s32 s5, $0x0;
	s5 =	sld [smem:$0x3FAF]  }
0x2b: {  	s6 =	sld [smem:$0x3FB0]  }
0x2c: {  	s7 =	sld [smem:$0x3FB1]  }
0x2d: {  	s3 =	simm.s32 $0x108;
	s8 =	sld [smem:$0x3FB2]  }
0x2e: {  	s3 =	simm.s32 @!p0 $0x1082;
	s9 =	sld [smem:$0x3FB3]  }
0x2f: {  	lr =	sadd.s32 s0, s3;
	s0 =	sld [smem:$0x3FAA]  }
0x30: {  	s3 =	sld [smem:$0x3FAD]  }
0x31: {  	[smem:$0x3FB6] =	sst s10  }
0x32: {  	s10 =	sld [smem:$0x3FB4];
	_ =	sdelay $0x3  }
0x33: {  	p0 =	seq.s32 s10, $0x1;
	s10 =	sld [smem:$0x3FB6];
	_ =	sdelay $0x3  }
0x34: {  	[smem:$0x3FB6] =	sst s10  }
0x35: {  	s10 =	sld [smem:$0x3FB5];
	_ =	sdelay $0x3  }
0x36: {  	p1 =	seq.s32 s10, $0x1;
	s10 =	sld [smem:$0x3FB6];
	_ =	sdelay $0x3  }
0x37: {  	[smem:$0x3FB6] =	sst s10  }
0x38: {  	s10 =	sld [smem:$0x3FB7]  }
0x39: {  	_ = 	snop;
	(pc) =	sbr.ind lr, $3  }
0x3a: {  	_ = 	snop  }
0x3b: {  	_ = 	snop  }
0x3c: {  	p2 =	seq.s32 s10, $0x1;
	s10 =	sld [smem:$0x3FB6]  }
0x3d: {  	_ =	shalt  }
0x3e: {  	_ =	shalt  }
0x3f: {  	_ =	shalt  }
0x40: {  	_ =	shalt  }
0x41: {  	_ =	shalt  }
0x42: {  	_ =	shalt  }
0x43: {  	_ =	shalt  }
0x44: {  	_ =	shalt  }
0x45: {  	_ =	shalt  }
0x46: {  	_ =	shalt  }
0x47: {  	_ =	shalt  }
0x48: {  	_ =	shalt  }
0x49: {  	_ =	shalt  }
0x4a: {  	_ =	shalt  }
0x4b: {  	_ =	shalt  }
0x4c: {  	_ =	shalt  }
0x4d: {  	_ =	shalt  }
0x4e: {  	_ =	shalt  }
0x4f: {  	_ =	shalt  }
0x50: {  	_ =	shalt  }
0x51: {  	_ =	shalt  }
0x52: {  	_ =	shalt  }
0x53: {  	_ =	shalt  }
0x54: {  	_ =	shalt  }
0x55: {  	_ =	shalt  }
0x56: {  	_ =	shalt  }
0x57: {  	_ =	shalt  }
0x58: {  	_ =	shalt  }
0x59: {  	_ =	shalt  }
0x5a: {  	_ =	shalt  }
0x5b: {  	_ =	shalt  }
0x5c: {  	_ =	shalt  }
0x5d: {  	_ =	shalt  }
0x5e: {  	_ =	shalt  }
0x5f: {  	_ =	shalt  }
0x60: {  	_ =	shalt  }
0x61: {  	_ =	shalt  }
0x62: {  	_ =	shalt  }
0x63: {  	_ =	shalt  }
0x64: {  	_ =	shalt  }
0x65: {  	_ =	shalt  }
0x66: {  	_ =	shalt  }
0x67: {  	_ =	shalt  }
0x68: {  	_ =	shalt  }
0x69: {  	_ =	shalt  }
0x6a: {  	_ =	shalt  }
0x6b: {  	_ =	shalt  }
0x6c: {  	_ =	shalt  }
0x6d: {  	_ =	shalt  }
0x6e: {  	_ =	shalt  }
0x6f: {  	_ =	shalt  }
0x70: {  	_ =	shalt  }
0x71: {  	_ =	shalt  }
0x72: {  	_ =	shalt  }
0x73: {  	_ =	shalt  }
0x74: {  	_ =	shalt  }
0x75: {  	_ =	shalt  }
0x76: {  	_ =	shalt  }
0x77: {  	_ =	shalt  }
0x78: {  	_ =	shalt  }
0x79: {  	_ =	shalt  }
0x7a: {  	_ =	shalt  }
0x7b: {  	_ =	shalt  }
0x7c: {  	_ =	shalt  }
0x7d: {  	_ =	shalt  }
0x7e: {  	_ =	shalt  }
0x7f: {  	_ =	shalt  }
0x80: {  	_ =	shalt  }
0x81: {  	_ =	shalt  }
0x82: {  	_ =	shalt  }
0x83: {  	_ =	shalt  }
0x84: {  	_ =	shalt  }
0x85: {  	_ =	shalt  }
0x86: {  	_ =	shalt  }
0x87: {  	_ =	shalt  }
.Lfunc_end0:
.L_simem_size_0:
called_computation_lowered:
.L_overlay_start_0:
0x88: {  	s2 =	sld [smem:$0x3FD9]  }
0x89: {  	s3 =	sld [smem:$0x3FFE];
	_ =	sdelay $0x1  }
0x8a: {  	s1 =	srdreg.scid  }
0x8b: {  	s0 =	sand.u32 $0x1, s1  }
0x8c: {  	s17 =	sshll.u32 s0, $0xA;
	s2 =	sadd.s32 s3, s2  }
0x8d: {  	s2 =	sadd.s32 s2, s17  }
0x8e: {  	[smem:$0x3FC2] =	sst s2  }
0x8f: {  	_ = 	snop  }
0x90: {  	s2 =	sld [smem:$0x3FC9]  }
0x91: {  	s18 =	sld [smem:$0x3FC8]  }
0x92: {  	s4 =	sld [smem:$0x3FC5]  }
0x93: {  	s5 =	sld [smem:$0x3FC4]  }
0x94: {  	s6 =	sld [smem:$0x3FD0];
	(tm) =	ssettm $0x1  }
0x95: {  	s7 =	sld [smem:$0x3FFB];
	_ =	sdelay $0x3  }
0x96: {  	_ =	strace s7  }
0x97: {  	s7 =	sld [smem:$0x3FFC];
	_ =	sdelay $0x3  }
0x98: {  	_ =	strace s7  }
0x99: {  	s7 =	sld [smem:$0x3FFD];
	_ =	sdelay $0x3  }
0x9a: {  	_ =	strace s7  }
0x9b: {  	_ =	strace $0x8FFFFFFF  }
0x9c: {  	s19 =	sld [smem:$0x3FDB];
	_ =	sdelay $0x1  }
0x9d: {  	s8 =	simm.s32 $_scs_section_size  }
0x9e: {  	s9 =	simm.s32 $_size__tile_overlayer_lowered;
	s10 =	simm.s32 $_tile_overlayer_lowered  }
0x9f: {  	s22 =	simm.s32 $0x1BFF;
	s21 =	sshll.u32 s10, $0x1;
	s7 =	sadd.s32 s8, s19  }
0xa0: {  	s11 =	simm.s32 $0x0;
	s20 =	sshll.u32 s9, $0x1;
	s9 =	sadd.s32 s21, s7  }
0xa1: {  	[timem:s11], [sflag:s22] =	dma.local [hbm:s9], s20  }
0xa2: {  	_ =	swait.ge [sflag:s22], s20  }
0xa3: {  	s8 =	ssub.s32 $0x0, s20;
	[sflag:s22] =	ssyncset.done $0x0  }
0xa4: {  	[sflag:s22] =	ssyncadd.s32 s8;
	_ =	sdelay $0x1  }
0xa5: {  	s23 =	simm.s32 $0x1B8B  }
0xa6: {  	_ =	swait.ge [sflag:s23], $0x1  }
0xa7: {  	[sflag:s23] =	ssyncset.done $0x0  }
0xa8: {  	s25 =	simm.s32 $0x1B8E;
	s24 =	sld [smem:$0x3FFE];
	[sflag:s23] =	ssyncadd.s32 $0xFFFFFFFF  }
0xa9: {  	s26 =	simm.s32 $execute0_lowered;
	[smem:$0x3FD2] =	sst s25  }
0xaa: {  	s9 =	sshll.u32 s26, $0x1;
	_ =	strace $0x80000046;
	[dreg:$0x1] =	wrdreg $0xFFFFFFFF  }
0xab: {  	s28 =	simm.s32 $_size_execute0_lowered;
	s7 =	sadd.s32 s7, s9;
	[dreg:$0x0] =	wrdreg $0x0  }
0xac: {  	s9 =	sshll.u32 s28, $0x1;
	[dreg:$0x2] =	wrdreg s7  }
0xad: {  	[dreg:$0x3] =	wrdreg s9  }
0xae: {  	[dreg:$0x4] =	wrdreg $0xC0  }
0xaf: {  	_ =	task [dreg:s11], $0x5FFFF  }
0xb0: {  	[dreg:$0x1] =	wrdreg $0xFFFFFFFF  }
0xb1: {  	[dreg:$0x0] =	wrdreg $0x60  }
0xb2: {  	[dreg:$0x2] =	wrdreg s2  }
0xb3: {  	[dreg:$0x3] =	wrdreg s18  }
0xb4: {  	[dreg:$0x4] =	wrdreg s24  }
0xb5: {  	[dreg:$0x5] =	wrdreg s4  }
0xb6: {  	[dreg:$0x6] =	wrdreg s5  }
0xb7: {  	[dreg:$0x7] =	wrdreg s6  }
0xb8: {  	[dreg:$0x8] =	wrdreg $0x9  }
0xb9: {  	_ =	task.clear_ibuf [dreg:s11], $0x9FFFF;
	_ =	strace $0x90000046  }
0xba: {  	s29 =	simm.s32 $0x9;
	_ =	strace $0x80000048  }
0xbb: {  	_ =	swait.ge [sflag:s29], $0x1  }
0xbc: {  	[sflag:s29] =	ssyncadd.s32 $0xFFFFFFFF  }
0xbd: {  	_ =	strace $0x90000048  }
0xbe: {  	_ =	sfence  }
0xbf: {  	s30 =	sld [smem:$0x0];
	_ =	sdelay $0x2  }
0xc0: {  	s31 =	sshll.u32 s1, $0xD;
	s1 =	sshrl.u32 s1, $0x2  }
0xc1: {  	s3 =	sand.u32 $0x4000, s31;
	s1 =	sadd.s32 s1, s30  }
0xc2: {  	s0 =	sor.u32 s3, s0;
	s1 =	sshll.u32 s1, $0x11  }
0xc3: {  	s0 =	sor.u32 s1, s0  }
0xc4: {  	s0 =	sadd.s32 $0x8F2B, s0  }
0xc5: {  	[sflag:s0] =	ssyncadd.remote.s32 $0x1  }
0xc6: {  	_ =	sfence.sel $0xFFFF  }
0xc7: {  	[dreg:$0x0] =	wrdreg $0xFFFFFFFF;
	(pc) =	sbr.abs _section_cstart, $3  }
0xc8: {  	[dreg:$0x1] =	wrdreg $0xFFFFFFFF  }
0xc9: {  	_ =	task.clear_ibuf [dreg:s11], $0x2FFFF;
	_ =	strace $0x9FFFFFFF  }
0xca: {  	(tm) =	ssettm $0x7FFFFFFF  }
0xcb: {  	_ =	shalt  }
tec
execute0_lowered:
.L_overlay_start_1:
0x0: {  	(tag) =	ssettag $0x1  }
0x1: {  	s0 =	rddreg [dreg:$0x0]  }
0x2: {  	s2 =	rddreg [dreg:$0x1]  }
0x3: {  	s3 =	rddreg [dreg:$0x2]  }
0x4: {  	s1 =	rddreg [dreg:$0x3];
	s5 =	simm.s32 $0x0;
	s4 =	srdreg.scid  }
0x5: {  	s6 =	stileid.u32;
	s28 =	simm.s32 $0x200;
	s29 =	simm.s32 $0x80  }
0x6: {  	s30 =	simm.s32 $0x280;
	[smem:$0x7FF] =	sst s5;
	s4 =	sand.u32 $0x1, s4  }
0x7: {  	s7 =	sshll.u32 s6, $0x1;
	s6 =	sadd.s32 $0x1400, s3;
	s14 =	sadd.s32 $0x187E00, s3  }
0x8: {  	s15 =	sadd.s32 $0x187E08, s3;
	_ =	strace $0x80000047;
	s7 =	sor.u32 s4, s7  }
0x9: {  	s4 =	ssub.s32 $0x2, s4;
	s8 =	sshll.u32 s7, $0x9;
	s16 =	sshll.u32 s7, $0x6  }
0xa: {  	s9 =	sshrl.u32 s4, $0x1;
	s26 =	sshll.u32 s7, $0xD;
	p0 =	sne.s32 s7, $0x0  }
0xb: {  	s7 =	simm.s32 $0x100;
	s10 =	sor.u32 $0x80, s8;
	s4 =	ssub.s32 s4, s9  }
0xc: {  	s25 =	sadd.s32 s0, s16;
	s18 =	sor.u32 $0x100, s8;
	s19 =	sor.u32 $0x180, s8  }
0xd: {  	s8 =	sadd.s32 s14, s26;
	s9 =	sadd.s32 s26, s15;
	s24 =	sadd.s32 s2, s16  }
0xe: {  	s26 =	sadd.s32 $0x1C8600, s3;
	[dreg:$0x7] =	wrdreg s25;
	s17 =	sshrl.u32 s10, $0x3  }
0xf: {  	s11 =	sshll.u32 s10, $0x4;
	s13 =	sshll.u32 s18, $0x4;
	s20 =	sshll.u32 s19, $0x4  }
0x10: {  	s22 =	sshrl.u32 s19, $0x3;
	[dreg:$0xe] =	wrdreg s24;
	s25 =	sadd.s32 s16, s3  }
0x11: {  	[dreg:$0xf] =	wrdreg s26;
	s26 =	simm.s32 $0x6;
	s16 =	simm.s32 $0x180  }
0x12: {  	s19 =	simm.s32 $0x2;
	s24 =	simm.s32 $0x0;
	s10 =	sadd.s32 s14, s11  }
0x13: {  	s11 =	sadd.s32 s11, s15;
	s12 =	sadd.s32 s14, s13;
	s13 =	sadd.s32 s13, s15  }
0x14: {  	s14 =	sadd.s32 s14, s20;
	s15 =	sadd.s32 s20, s15;
	s31 =	sadd.s32 s0, s17  }
0x15: {  	s17 =	sadd.s32 s2, s17;
	s20 =	sshrl.u32 s18, $0x3;
	[dreg:$0x8] =	wrdreg s31  }
0x16: {  	s23 =	sadd.s32 s2, s22;
	s18 =	simm.s32 $0x1;
	[dreg:$0x9] =	wrdreg s17  }
0x17: {  	s21 =	sadd.s32 s0, s20;
	s17 =	sadd.s32 s2, s20;
	[dreg:$0xd] =	wrdreg s23  }
0x18: {  	s0 =	sadd.s32 s0, s22;
	s31 =	smax.u32 s4, $0x1;
	[dreg:$0xa] =	wrdreg s21  }
0x19: {  	s2 =	simm.s32 $0x380;
	s20 =	simm.s32 $0x400;
	[dreg:$0xb] =	wrdreg s17  }
0x1a: {  	s22 =	simm.s32 $0x4;
	s23 =	simm.s32 $0x5;
	[dreg:$0xc] =	wrdreg s0  }
0x1b: {  	s0 =	sadd.s32 $0x1C7E00, s25;
	[dreg:$0x11] =	wrdreg s31;
	s17 =	simm.s32 $0x10400  }
0x1c: {  	s21 =	simm.s32 $0x3;
	[dreg:$0x10] =	wrdreg s0;
	s0 =	simm.s32 $0x300  }
.LBB2_1:
0x1d: {  	s3 =	rddreg [dreg:$0x7]  }
0x1e: {  	[tilespmem:s5], [sflag:$0x6] =	stream.linear.gather [hbm4b:s3+s5], $0x80, $0x38;
	[tilespmem:$0x12680] =	vst v63  }
0x1f: {  	_ =	swait.ge [sflag:s26], $0x80  }
0x20: {  	[sflag:s26] =	ssyncset.done $0x0  }
0x21: {  	s25 =	rddreg [dreg:$0xe];
	[sflag:s26] =	ssyncadd.s32 $0xFFFFFF80  }
0x22: {  	[tilespmem:s28], [sflag:$0x6] =	stream.linear.gather [hbm4b:s25+s5], $0x80, $0x38;
	[tilespmem:$0x12680] =	vst v63  }
0x23: {  	_ =	swait.ge [sflag:s26], $0x80  }
0x24: {  	[sflag:s26] =	ssyncset.done $0x0  }
0x25: {  	s4 =	rddreg [dreg:$0x8];
	[sflag:s26] =	ssyncadd.s32 $0xFFFFFF80  }
0x26: {  	[tilespmem:s29], [sflag:$0x6] =	stream.linear.gather [hbm4b:s4+s5], $0x80, $0x38;
	[tilespmem:$0x12680] =	vst v63  }
0x27: {  	_ =	swait.ge [sflag:s26], $0x80  }
0x28: {  	[sflag:s26] =	ssyncset.done $0x0  }
0x29: {  	s25 =	rddreg [dreg:$0x9];
	[sflag:s26] =	ssyncadd.s32 $0xFFFFFF80  }
0x2a: {  	[tilespmem:s30], [sflag:$0x6] =	stream.linear.gather [hbm4b:s25+s5], $0x80, $0x38;
	[tilespmem:$0x12680] =	vst v63  }
0x2b: {  	_ =	swait.ge [sflag:s26], $0x80  }
0x2c: {  	[sflag:s26] =	ssyncset.done $0x0  }
0x2d: {  	s4 =	rddreg [dreg:$0xa];
	[sflag:s26] =	ssyncadd.s32 $0xFFFFFF80  }
0x2e: {  	[tilespmem:s7], [sflag:$0x6] =	stream.linear.gather [hbm4b:s4+s5], $0x80, $0x38;
	[tilespmem:$0x12680] =	vst v63  }
0x2f: {  	_ =	swait.ge [sflag:s26], $0x80  }
0x30: {  	[sflag:s26] =	ssyncset.done $0x0  }
0x31: {  	s25 =	rddreg [dreg:$0xb];
	[sflag:s26] =	ssyncadd.s32 $0xFFFFFF80  }
0x32: {  	[tilespmem:s0], [sflag:$0x6] =	stream.linear.gather [hbm4b:s25+s5], $0x80, $0x38;
	[tilespmem:$0x12680] =	vst v63  }
0x33: {  	_ =	swait.ge [sflag:s26], $0x80  }
0x34: {  	[sflag:s26] =	ssyncset.done $0x0  }
0x35: {  	s4 =	rddreg [dreg:$0xc];
	[sflag:s26] =	ssyncadd.s32 $0xFFFFFF80  }
0x36: {  	[tilespmem:s16], [sflag:$0x6] =	stream.linear.gather [hbm4b:s4+s5], $0x80, $0x38;
	[tilespmem:$0x12680] =	vst v63  }
0x37: {  	_ =	swait.ge [sflag:s26], $0x80  }
0x38: {  	[sflag:s26] =	ssyncset.done $0x0  }
0x39: {  	s25 =	rddreg [dreg:$0xd];
	[sflag:s26] =	ssyncadd.s32 $0xFFFFFF80  }
0x3a: {  	[tilespmem:s2], [sflag:$0x6] =	stream.linear.gather [hbm4b:s25+s5], $0x80, $0x38;
	[tilespmem:$0x12680] =	vst v63  }
0x3b: {  	_ =	swait.ge [sflag:s26], $0x80  }
0x3c: {  	[sflag:s26] =	ssyncset.done $0x0  }
0x3d: {  	[sflag:s26] =	ssyncadd.s32 $0xFFFFFF80  }
0x3e: {  	[tilespmem:s17], [sflag:$0x5] =	stream.indirect.gather [hbm4b:s1+s29], $0x1, s28, s29, $0xb8;
	[tilespmem:$0x12680] =	vst v63  }
0x3f: {  	s4 =	simm.s32 $0x10480  }
0x40: {  	[tilespmem:s4], [sflag:$0x5] =	stream.indirect.gather [hbm4b:s1+s29], $0x1, s30, s29, $0xb8;
	[tilespmem:$0x12680] =	vst v63  }
0x41: {  	s25 =	simm.s32 $0x10500  }
0x42: {  	[tilespmem:s25], [sflag:$0x5] =	stream.indirect.gather [hbm4b:s1+s29], $0x1, s0, s29, $0xb8;
	[tilespmem:$0x12680] =	vst v63  }
0x43: {  	s4 =	simm.s32 $0x10580  }
0x44: {  	[tilespmem:s4], [sflag:$0x5] =	stream.indirect.gather [hbm4b:s1+s29], $0x1, s2, s29, $0xb8;
	[tilespmem:$0x12680] =	vst v63  }
0x45: {  	_ = 	snop  }
0x46: {  	[tilespmem:s20], [sflag:$0x1] =	stream.indirect.gather [hbm4b:s6+s29], $0x80, s5, s29, $0xb8;
	[tilespmem:$0x12680] =	vst v63  }
0x47: {  	s25 =	simm.s32 $0x8400  }
0x48: {  	[tilespmem:s25], [sflag:$0x2] =	stream.indirect.gather [hbm4b:s6+s29], $0x80, s28, s29, $0xb8;
	[tilespmem:$0x12680] =	vst v63  }
0x49: {  	s4 =	simm.s32 $0x4400  }
0x4a: {  	[tilespmem:s4], [sflag:$0x3] =	stream.indirect.gather [hbm4b:s6+s29], $0x80, s29, s29, $0xb8;
	[tilespmem:$0x12680] =	vst v63  }
0x4b: {  	s25 =	simm.s32 $0xC400  }
0x4c: {  	[tilespmem:s25], [sflag:$0x4] =	stream.indirect.gather [hbm4b:s6+s29], $0x80, s30, s29, $0xb8;
	[tilespmem:$0x12680] =	vst v63  }
0x4d: {  	_ =	swait.ge [sflag:s18], $0x4000  }
0x4e: {  	[sflag:s18] =	ssyncset.done $0x0  }
0x4f: {  	[sflag:s18] =	ssyncadd.s32 $0xFFFFC000  }
0x50: {  	_ =	swait.ge [sflag:s19], $0x4000  }
0x51: {  	s31 =	simm.s32 $0x10;
	s3 =	simm.s32 $0x400;
	[sflag:s19] =	ssyncset.done $0x0  }
0x52: {  	s4 =	sadd.s32 $0x0, s8;
	s25 =	simm.s32 $0x480;
	[sflag:s19] =	ssyncadd.s32 $0xFFFFC000  }
.LBB2_2:
0x53: {  	[hbm4b:s4+s5] =	stream.linear.scatter [tilespmem:s3], [sflag:$0x6], $0x40, $0x38;
	[tilespmem:$0x12680] =	vst v63  }
0x54: {  	s4 =	smov.u32 s31;
	s3 =	smov.u32 s25;
	p1 =	sne.s32 s31, $0x7F0  }
.Ltmp0:
0x55: {  	s31 =	sadd.s32 $0x10, s31;
	(pc) =	sbr.rel @p1 .LBB2_2-.Ltmp0, $2  }
0x56: {  	_ =	sdelay $0x2  }
0x57: {  	s25 =	sadd.s32 $0x80, s25;
	s4 =	sadd.s32 s4, s8  }
0x58: {  	[hbm4b:s4+s5] =	stream.linear.scatter [tilespmem:s3], [sflag:$0x6], $0x40, $0x38;
	[tilespmem:$0x12680] =	vst v63  }
0x59: {  	_ =	swait.ge [sflag:s26], $0x2000  }
0x5a: {  	s31 =	simm.s32 $0x8440;
	s25 =	simm.s32 $0x10;
	[sflag:s26] =	ssyncset.done $0x0  }
0x5b: {  	s4 =	sadd.s32 $0x0, s9;
	s3 =	simm.s32 $0x84C0;
	[sflag:s26] =	ssyncadd.s32 $0xFFFFE000  }
.LBB2_4:
0x5c: {  	[hbm4b:s4+s5] =	stream.linear.scatter [tilespmem:s31], [sflag:$0x6], $0x40, $0x38;
	[tilespmem:$0x12680] =	vst v63  }
0x5d: {  	s4 =	smov.u32 s25;
	s31 =	smov.u32 s3;
	p1 =	sne.s32 s25, $0x7F0  }
.Ltmp1:
0x5e: {  	s25 =	sadd.s32 $0x10, s25;
	(pc) =	sbr.rel @p1 .LBB2_4-.Ltmp1, $2  }
0x5f: {  	_ =	sdelay $0x2  }
0x60: {  	s3 =	sadd.s32 $0x80, s3;
	s4 =	sadd.s32 s4, s9  }
0x61: {  	[hbm4b:s4+s5] =	stream.linear.scatter [tilespmem:s31], [sflag:$0x6], $0x40, $0x38;
	[tilespmem:$0x12680] =	vst v63  }
0x62: {  	_ =	swait.ge [sflag:s26], $0x2000  }
0x63: {  	[sflag:s26] =	ssyncset.done $0x0  }
0x64: {  	[sflag:s26] =	ssyncadd.s32 $0xFFFFE000  }
0x65: {  	[tilespmem:s20], [sflag:$0x1] =	stream.indirect.gather [hbm4b:s6+s29], $0x80, s7, s29, $0xb8;
	[tilespmem:$0x12680] =	vst v63  }
0x66: {  	s3 =	simm.s32 $0x8400  }
0x67: {  	[tilespmem:s3], [sflag:$0x2] =	stream.indirect.gather [hbm4b:s6+s29], $0x80, s0, s29, $0xb8;
	[tilespmem:$0x12680] =	vst v63  }
0x68: {  	_ =	swait.ge [sflag:s21], $0x4000  }
0x69: {  	[sflag:s21] =	ssyncset.done $0x0  }
0x6a: {  	[sflag:s21] =	ssyncadd.s32 $0xFFFFC000  }
0x6b: {  	_ =	swait.ge [sflag:s22], $0x4000  }
0x6c: {  	s31 =	simm.s32 $0x4400;
	s25 =	simm.s32 $0x10;
	[sflag:s22] =	ssyncset.done $0x0  }
0x6d: {  	s4 =	sadd.s32 $0x0, s10;
	s3 =	simm.s32 $0x4480;
	[sflag:s22] =	ssyncadd.s32 $0xFFFFC000  }
.LBB2_6:
0x6e: {  	[hbm4b:s4+s5] =	stream.linear.scatter [tilespmem:s31], [sflag:$0x6], $0x40, $0x38;
	[tilespmem:$0x12680] =	vst v63  }
0x6f: {  	s4 =	smov.u32 s25;
	s31 =	smov.u32 s3;
	p1 =	sne.s32 s25, $0x7F0  }
.Ltmp2:
0x70: {  	s25 =	sadd.s32 $0x10, s25;
	(pc) =	sbr.rel @p1 .LBB2_6-.Ltmp2, $2  }
0x71: {  	_ =	sdelay $0x2  }
0x72: {  	s3 =	sadd.s32 $0x80, s3;
	s4 =	sadd.s32 s4, s10  }
0x73: {  	[hbm4b:s4+s5] =	stream.linear.scatter [tilespmem:s31], [sflag:$0x6], $0x40, $0x38;
	[tilespmem:$0x12680] =	vst v63  }
0x74: {  	_ =	swait.ge [sflag:s26], $0x2000  }
0x75: {  	s31 =	simm.s32 $0xC440;
	s25 =	simm.s32 $0x10;
	[sflag:s26] =	ssyncset.done $0x0  }
0x76: {  	s4 =	sadd.s32 $0x0, s11;
	s3 =	simm.s32 $0xC4C0;
	[sflag:s26] =	ssyncadd.s32 $0xFFFFE000  }
.LBB2_8:
0x77: {  	[hbm4b:s4+s5] =	stream.linear.scatter [tilespmem:s31], [sflag:$0x6], $0x40, $0x38;
	[tilespmem:$0x12680] =	vst v63  }
0x78: {  	s4 =	smov.u32 s25;
	s31 =	smov.u32 s3;
	p1 =	sne.s32 s25, $0x7F0  }
.Ltmp3:
0x79: {  	s25 =	sadd.s32 $0x10, s25;
	(pc) =	sbr.rel @p1 .LBB2_8-.Ltmp3, $2  }
0x7a: {  	_ =	sdelay $0x2  }
0x7b: {  	s3 =	sadd.s32 $0x80, s3;
	s4 =	sadd.s32 s4, s11  }
0x7c: {  	[hbm4b:s4+s5] =	stream.linear.scatter [tilespmem:s31], [sflag:$0x6], $0x40, $0x38;
	[tilespmem:$0x12680] =	vst v63  }
0x7d: {  	_ =	swait.ge [sflag:s26], $0x2000  }
0x7e: {  	[sflag:s26] =	ssyncset.done $0x0  }
0x7f: {  	s3 =	simm.s32 $0x4400;
	[sflag:s26] =	ssyncadd.s32 $0xFFFFE000  }
0x80: {  	[tilespmem:s3], [sflag:$0x3] =	stream.indirect.gather [hbm4b:s6+s29], $0x80, s16, s29, $0xb8;
	[tilespmem:$0x12680] =	vst v63  }
0x81: {  	s25 =	simm.s32 $0xC400  }
0x82: {  	[tilespmem:s25], [sflag:$0x4] =	stream.indirect.gather [hbm4b:s6+s29], $0x80, s2, s29, $0xb8;
	[tilespmem:$0x12680] =	vst v63  }
0x83: {  	_ =	swait.ge [sflag:s18], $0x4000  }
0x84: {  	[sflag:s18] =	ssyncset.done $0x0  }
0x85: {  	[sflag:s18] =	ssyncadd.s32 $0xFFFFC000  }
0x86: {  	_ =	swait.ge [sflag:s19], $0x4000  }
0x87: {  	s31 =	simm.s32 $0x400;
	s4 =	sadd.s32 $0x0, s12;
	[sflag:s19] =	ssyncset.done $0x0  }
0x88: {  	s3 =	simm.s32 $0x480;
	s25 =	simm.s32 $0x10;
	[sflag:s19] =	ssyncadd.s32 $0xFFFFC000  }
.LBB2_10:
0x89: {  	[hbm4b:s4+s5] =	stream.linear.scatter [tilespmem:s31], [sflag:$0x6], $0x40, $0x38;
	[tilespmem:$0x12680] =	vst v63  }
0x8a: {  	s4 =	smov.u32 s25;
	s31 =	smov.u32 s3;
	p1 =	sne.s32 s25, $0x7F0  }
.Ltmp4:
0x8b: {  	s25 =	sadd.s32 $0x10, s25;
	(pc) =	sbr.rel @p1 .LBB2_10-.Ltmp4, $2  }
0x8c: {  	_ =	sdelay $0x2  }
0x8d: {  	s3 =	sadd.s32 $0x80, s3;
	s4 =	sadd.s32 s4, s12  }
0x8e: {  	[hbm4b:s4+s5] =	stream.linear.scatter [tilespmem:s31], [sflag:$0x6], $0x40, $0x38;
	[tilespmem:$0x12680] =	vst v63  }
0x8f: {  	_ =	swait.ge [sflag:s26], $0x2000  }
0x90: {  	s31 =	simm.s32 $0x8440;
	s25 =	simm.s32 $0x10;
	[sflag:s26] =	ssyncset.done $0x0  }
0x91: {  	s4 =	sadd.s32 $0x0, s13;
	s3 =	simm.s32 $0x84C0;
	[sflag:s26] =	ssyncadd.s32 $0xFFFFE000  }
.LBB2_12:
0x92: {  	[hbm4b:s4+s5] =	stream.linear.scatter [tilespmem:s31], [sflag:$0x6], $0x40, $0x38;
	[tilespmem:$0x12680] =	vst v63  }
0x93: {  	s4 =	smov.u32 s25;
	s31 =	smov.u32 s3;
	p1 =	sne.s32 s25, $0x7F0  }
.Ltmp5:
0x94: {  	s25 =	sadd.s32 $0x10, s25;
	(pc) =	sbr.rel @p1 .LBB2_12-.Ltmp5, $2  }
0x95: {  	_ =	sdelay $0x2  }
0x96: {  	s3 =	sadd.s32 $0x80, s3;
	s4 =	sadd.s32 s4, s13  }
0x97: {  	[hbm4b:s4+s5] =	stream.linear.scatter [tilespmem:s31], [sflag:$0x6], $0x40, $0x38;
	[tilespmem:$0x12680] =	vst v63  }
0x98: {  	_ =	swait.ge [sflag:s26], $0x2000  }
0x99: {  	[sflag:s26] =	ssyncset.done $0x0  }
0x9a: {  	[sflag:s26] =	ssyncadd.s32 $0xFFFFE000  }
0x9b: {  	_ =	swait.ge [sflag:s21], $0x4000  }
0x9c: {  	[sflag:s21] =	ssyncset.done $0x0  }
0x9d: {  	[sflag:s21] =	ssyncadd.s32 $0xFFFFC000  }
0x9e: {  	_ =	swait.ge [sflag:s22], $0x4000  }
0x9f: {  	s31 =	simm.s32 $0x4400;
	s25 =	simm.s32 $0x10;
	[sflag:s22] =	ssyncset.done $0x0  }
0xa0: {  	s4 =	sadd.s32 $0x0, s14;
	s3 =	simm.s32 $0x4480;
	[sflag:s22] =	ssyncadd.s32 $0xFFFFC000  }
.LBB2_14:
0xa1: {  	[hbm4b:s4+s5] =	stream.linear.scatter [tilespmem:s31], [sflag:$0x6], $0x40, $0x38;
	[tilespmem:$0x12680] =	vst v63  }
0xa2: {  	s4 =	smov.u32 s25;
	s31 =	smov.u32 s3;
	p1 =	sne.s32 s25, $0x7F0  }
.Ltmp6:
0xa3: {  	s25 =	sadd.s32 $0x10, s25;
	(pc) =	sbr.rel @p1 .LBB2_14-.Ltmp6, $2  }
0xa4: {  	_ =	sdelay $0x2  }
0xa5: {  	s3 =	sadd.s32 $0x80, s3;
	s4 =	sadd.s32 s4, s14  }
0xa6: {  	[hbm4b:s4+s5] =	stream.linear.scatter [tilespmem:s31], [sflag:$0x6], $0x40, $0x38;
	[tilespmem:$0x12680] =	vst v63  }
0xa7: {  	_ =	swait.ge [sflag:s26], $0x2000  }
0xa8: {  	s31 =	simm.s32 $0xC440;
	s25 =	simm.s32 $0x10;
	[sflag:s26] =	ssyncset.done $0x0  }
0xa9: {  	s4 =	sadd.s32 $0x0, s15;
	s3 =	simm.s32 $0xC4C0;
	[sflag:s26] =	ssyncadd.s32 $0xFFFFE000  }
.LBB2_16:
0xaa: {  	[hbm4b:s4+s5] =	stream.linear.scatter [tilespmem:s31], [sflag:$0x6], $0x40, $0x38;
	[tilespmem:$0x12680] =	vst v63  }
0xab: {  	s4 =	smov.u32 s25;
	s31 =	smov.u32 s3;
	p1 =	sne.s32 s25, $0x7F0  }
.Ltmp7:
0xac: {  	s25 =	sadd.s32 $0x10, s25;
	(pc) =	sbr.rel @p1 .LBB2_16-.Ltmp7, $2  }
0xad: {  	_ =	sdelay $0x2  }
0xae: {  	s3 =	sadd.s32 $0x80, s3;
	s4 =	sadd.s32 s4, s15  }
0xaf: {  	[hbm4b:s4+s5] =	stream.linear.scatter [tilespmem:s31], [sflag:$0x6], $0x40, $0x38;
	[tilespmem:$0x12680] =	vst v63  }
0xb0: {  	_ =	swait.ge [sflag:s26], $0x2000  }
0xb1: {  	[sflag:s26] =	ssyncset.done $0x0  }
0xb2: {  	[sflag:s26] =	ssyncadd.s32 $0xFFFFE000  }
0xb3: {  	_ =	swait.ge [sflag:s23], $0x80  }
0xb4: {  	[sflag:s23] =	ssyncset.done $0x0  }
0xb5: {  	[sflag:s23] =	ssyncadd.s32 $0xFFFFFF80  }
0xb6: {  	_ =	swait.ge [sflag:s23], $0x80  }
0xb7: {  	[sflag:s23] =	ssyncset.done $0x0  }
0xb8: {  	[sflag:s23] =	ssyncadd.s32 $0xFFFFFF80  }
0xb9: {  	_ =	swait.ge [sflag:s23], $0x80  }
0xba: {  	[sflag:s23] =	ssyncset.done $0x0  }
0xbb: {  	[sflag:s23] =	ssyncadd.s32 $0xFFFFFF80  }
0xbc: {  	_ =	swait.ge [sflag:s23], $0x80  }
0xbd: {  	[sflag:s23] =	ssyncset.done $0x0  }
0xbe: {  	s3 =	rddreg [dreg:$0x10];
	[sflag:s23] =	ssyncadd.s32 $0xFFFFFF80  }
0xbf: {  	[hbm4b:s3+s5] =	stream.linear.scatter [tilespmem:s17], [sflag:$0x6], $0x200, $0x38;
	[tilespmem:$0x12680] =	vst v63  }
0xc0: {  	_ =	swait.ge [sflag:s26], $0x200  }
0xc1: {  	[sflag:s26] =	ssyncset.done $0x0  }
0xc2: {  	s4 =	simm.s32 @!p0 $0x10600;
	[sflag:s26] =	ssyncadd.s32 $0xFFFFFE00  }
0xc3: {  	s25 =	simm.s32 @!p0 $0x6;
	s3 =	simm.s32 @!p0 $0x0;
	s7 =	rddreg [dreg:$0x4]  }
0xc4: {  	[tilespmem:s4], [sflag:$0x6] =	stream.linear.gather @!p0 [hbm4b:s7+s3], $0x40, $0x38;
	[tilespmem:$0x12680] =	vst v63  }
0xc5: {  	_ =	swait.ge @!p0 [sflag:s25], $0x40  }
0xc6: {  	s31 =	simm.s32 @!p0 $0x40;
	[sflag:s25] =	ssyncset.done @!p0 $0x0  }
0xc7: {  	s16 =	simm.s32 @!p0 $0x5;
	s7 =	simm.s32 @!p0 $0x10640;
	[sflag:s25] =	ssyncadd.s32 @!p0 $0xFFFFFFC0  }
0xc8: {  	[tilespmem:s7], [sflag:$0x5] =	stream.indirect.gather @!p0 [hbm4b:s6+s31], $0x80, s4, s31, $0xb8;
	[tilespmem:$0x12680] =	vst v63  }
0xc9: {  	_ =	swait.ge @!p0 [sflag:s16], $0x2000  }
0xca: {  	[sflag:s16] =	ssyncset.done @!p0 $0x0  }
0xcb: {  	s17 =	simm.s32 @!p0 $0x12640;
	[sflag:s16] =	ssyncadd.s32 @!p0 $0xFFFFE000  }
0xcc: {  	[tilespmem:s17], [sflag:$0x5] =	stream.indirect.gather @!p0 [hbm4b:s1+s31], $0x1, s4, s31, $0xb8;
	[tilespmem:$0x12680] =	vst v63  }
0xcd: {  	_ =	swait.ge @!p0 [sflag:s16], $0x40  }
0xce: {  	[sflag:s16] =	ssyncset.done @!p0 $0x0  }
0xcf: {  	s4 =	rddreg [dreg:$0xf];
	[sflag:s16] =	ssyncadd.s32 @!p0 $0xFFFFFFC0  }
0xd0: {  	[hbm4b:s4+s3] =	stream.linear.scatter @!p0 [tilespmem:s7], [sflag:$0x6], $0x2000, $0x38;
	[tilespmem:$0x12680] =	vst v63  }
0xd1: {  	_ =	swait.ge @!p0 [sflag:s25], $0x2000  }
0xd2: {  	[sflag:s25] =	ssyncset.done @!p0 $0x0  }
0xd3: {  	[sflag:s25] =	ssyncadd.s32 @!p0 $0xFFFFE000  }
0xd4: {  	s4 =	rddreg [dreg:$0x5]  }
0xd5: {  	[hbm4b:s4+s3] =	stream.linear.scatter @!p0 [tilespmem:s17], [sflag:$0x6], $0x40, $0x38;
	[tilespmem:$0x12680] =	vst v63  }
0xd6: {  	_ =	swait.ge @!p0 [sflag:s25], $0x40  }
0xd7: {  	s24 =	sadd.s32 $0x1, s24;
	s31 =	rddreg [dreg:$0x11]  }
0xd8: {  	p1 =	sne.s32 s24, s31  }
.Ltmp8:
0xd9: {  	_ = 	snop;
	(pc) =	sbr.rel @p1 .LBB2_1-.Ltmp8, $3  }
0xda: {  	_ =	sdelay $0x1  }
0xdb: {  	s16 =	simm.s32 $0x180;
	[sflag:s25] =	ssyncset.done @!p0 $0x0  }
0xdc: {  	s7 =	simm.s32 $0x100;
	s17 =	simm.s32 $0x10400;
	[sflag:s25] =	ssyncadd.s32 @!p0 $0xFFFFFFC0  }
0xdd: {  	_ =	sfence.sel $0x180000  }
0xde: {  	[bflag:$0x0] =	sbarrier.arrive $0xFFFF  }
0xdf: {  	_ =	strace $0x90000047  }
0xe0: {  	s0 =	stileid.u32;
	[bflag:$0x2] =	sbarrier.arrive $0xFFFF  }
0xe1: {  	p0 =	sne.s32 s0, $0x0;
	s0 =	rddreg [dreg:$0x6]  }
0xe2: {  	s0 =	sadd.s32 @!p0 $0x100000, s0  }
0xe3: {  	[sflag:s0] =	ssyncadd.tile.s32 @!p0 $0x1;
	_ =	shalt  }
.Lfunc_end2:
_tile_overlayer_lowered:
.L_overlay_start_2:
0xe4: {  	(tag) =	ssettag $0x2  }
0xe5: {  	s0 =	rddreg [dreg:$0x0];
	s2 =	stileid.u32  }
0xe6: {  	s1 =	rddreg [dreg:$0x1];
	p0 =	sne.s32 s2, $0x0  }
0xe7: {  	s3 =	rddreg [dreg:$0x2];
	[bflag:$0x3] =	sbarrier.arrive $0xFFFF;
	s2 =	simm.s32 @!p0 $0x1C06  }
0xe8: {  	[timem:s3], [sflag:s2] =	dma.local @!p0 [hbm:s0], s1  }
0xe9: {  	s0 =	simm.s32 @!p0 $0x6  }
0xea: {  	_ =	swait.ge @!p0 [sflag:s0], s1  }
0xeb: {  	s1 =	ssub.s32 @!p0 $0x0, s1;
	[sflag:s0] =	ssyncset.done @!p0 $0x0  }
0xec: {  	[sflag:s0] =	ssyncadd.s32 @!p0 s1  }
0xed: {  	[bflag:$0x3] =	sbarrier.arrive $0xFFFF  }
0xee: {  	_ =	shalt  }

</sc_bundles>
